<compile_context>
chip_gen: v7x
topology: tpu7x:2x2x1
jax: 0.10.2.dev20260603
libtpu: 0.0.44.dev20260713+nightly
codegen_flags: <defaults>
</compile_context>

<pallas_src>
import functools

import jax
import jax.numpy as jnp
from jax import lax
from jax.experimental import pallas as pl
from jax.experimental.pallas import tpu as pltpu
from jax.experimental.pallas import tpu_sc as plsc

_N = 10000
_E = 320000
_D_IN = 128
_D_H = 256
_D_OUT = 128

_NC = 2
_NS = 16
_NW = _NC * _NS
_CHUNK = 128
_NACC = 10240
_RPT = _NACC // _NS
_CNT_BASE = 10112
_PAD_ROW = _NACC - 1

_CH1 = 157
_EPW1 = _CH1 * _CHUNK
_EPAD1 = _EPW1 * _NW
_CH2 = 79
_EPW2 = _CH2 * _CHUNK
_EPAD2 = _EPW2 * _NW


def _seg_sum_body(chunks, feat, sd_i, zrows, out_feat, sdv, rows, acc, sem):
    c = lax.axis_index("c")
    s = lax.axis_index("s")
    wid = s * _NC + c
    cbase = wid * chunks

    pltpu.sync_copy(zrows, acc.at[pl.ds(s * _RPT, _RPT)])
    plsc.subcore_barrier()

    def step(j, carry):
        pltpu.sync_copy(sd_i.at[cbase + j], sdv)
        pltpu.async_copy(feat.at[sdv.at[0]], rows, sem).wait()
        pltpu.sync_copy(rows, acc.at[sdv.at[1]], add=True)
        return carry

    lax.fori_loop(0, chunks, step, 0)
    plsc.subcore_barrier()

    pltpu.sync_copy(acc.at[pl.ds(s * _RPT, _RPT)],
                    out_feat.at[c].at[pl.ds(s * _RPT, _RPT)])


def _make_seg_sum(chunks):
    mesh = plsc.VectorSubcoreMesh(core_axis_name="c", subcore_axis_name="s")
    return pl.kernel(
        functools.partial(_seg_sum_body, chunks),
        out_type=[jax.ShapeDtypeStruct((_NC, _NACC, 128), jnp.float32)],
        mesh=mesh,
        scratch_types=[
            pltpu.VMEM((2, _CHUNK), jnp.int32),
            pltpu.VMEM((_CHUNK, 128), jnp.float32),
            pltpu.VMEM_SHARED((_NACC, 128), jnp.float32),
            pltpu.SemaphoreType.DMA,
        ],
    )


_seg_sum_l1 = _make_seg_sum(_CH1)
_seg_sum_l2 = _make_seg_sum(_CH2)

_BM = 1000


def _layer1_body(h0, s1, c1, wl1, b1, wr1, a1, wl2, wr2, b2, p2, r2):
    ssum = s1[0] + s1[1]
    cnt = jnp.maximum(c1[0] + c1[1], 1.0)
    agg = ssum / cnt
    dn = (((1,), (1,)), ((), ()))
    z = lax.dot_general(agg, wl1[...], dn, preferred_element_type=jnp.float32)
    z = z + lax.dot_general(h0[...], wr1[...], dn,
                            preferred_element_type=jnp.float32)
    z = z + b1[...]
    av = a1[0, 0]
    h1 = jnp.where(z >= 0.0, z, av * z)
    p2[...] = lax.dot_general(h1, wl2[...], dn,
                              preferred_element_type=jnp.float32)
    r2[...] = lax.dot_general(h1, wr2[...], dn,
                              preferred_element_type=jnp.float32) + b2[...]


_layer1 = pl.pallas_call(
    _layer1_body,
    grid=(_N // _BM,),
    in_specs=[
        pl.BlockSpec((_BM, _D_IN), lambda i: (i, 0)),
        pl.BlockSpec((_NC, _BM, 128), lambda i: (0, i, 0)),
        pl.BlockSpec((_NC, _BM, 1), lambda i: (0, i, 0)),
        pl.BlockSpec((_D_H, _D_IN), lambda i: (0, 0)),
        pl.BlockSpec((1, _D_H), lambda i: (0, 0)),
        pl.BlockSpec((_D_H, _D_IN), lambda i: (0, 0)),
        pl.BlockSpec((1, 1), lambda i: (0, 0)),
        pl.BlockSpec((_D_OUT, _D_H), lambda i: (0, 0)),
        pl.BlockSpec((_D_OUT, _D_H), lambda i: (0, 0)),
        pl.BlockSpec((1, _D_OUT), lambda i: (0, 0)),
    ],
    out_specs=[
        pl.BlockSpec((_BM, _D_OUT), lambda i: (i, 0)),
        pl.BlockSpec((_BM, _D_OUT), lambda i: (i, 0)),
    ],
    out_shape=[
        jax.ShapeDtypeStruct((_N, _D_OUT), jnp.float32),
        jax.ShapeDtypeStruct((_N, _D_OUT), jnp.float32),
    ],
)


def _layer2_body(s2, c1, r2, a2, out):
    ssum = s2[0] + s2[1]
    cnt = jnp.maximum(c1[0] + c1[1], 1.0)
    z = ssum / cnt + r2[...]
    av = a2[0, 0]
    out[...] = jnp.where(z >= 0.0, z, av * z)


_layer2 = pl.pallas_call(
    _layer2_body,
    grid=(_N // _BM,),
    in_specs=[
        pl.BlockSpec((_NC, _BM, _D_OUT), lambda i: (0, i, 0)),
        pl.BlockSpec((_NC, _BM, 1), lambda i: (0, i, 0)),
        pl.BlockSpec((_BM, _D_OUT), lambda i: (i, 0)),
        pl.BlockSpec((1, 1), lambda i: (0, 0)),
    ],
    out_specs=pl.BlockSpec((_BM, _D_OUT), lambda i: (i, 0)),
    out_shape=jax.ShapeDtypeStruct((_N, _D_OUT), jnp.float32),
)


def kernel(x, edge_index, edge_weights, edge_attr,
           W_l1, b_l1, W_r1, a1, W_l2, b_l2, W_r2, a2):
    h0 = x[0]
    ei = edge_index[0]
    src = ei[:, 0]
    dst = ei[:, 1]

    tab = jnp.concatenate([h0, jnp.eye(128, dtype=jnp.float32)], axis=0)
    src_cnt = _N + jnp.bitwise_and(dst, 127)
    dst_cnt = _CNT_BASE + jnp.right_shift(dst, 7)

    sd_a = jnp.stack([src.reshape(-1, _CHUNK), dst.reshape(-1, _CHUNK)], axis=1)
    sd_b = jnp.stack([src_cnt.reshape(-1, _CHUNK), dst_cnt.reshape(-1, _CHUNK)],
                     axis=1)
    sd_ab = jnp.concatenate([sd_a, sd_b])

    def _pad_chunks(n):
        return jnp.stack(
            [jnp.zeros((n, _CHUNK), jnp.int32),
             jnp.full((n, _CHUNK), _PAD_ROW, jnp.int32)], axis=1)

    sd1 = jnp.concatenate([sd_ab, _pad_chunks(_EPAD1 // _CHUNK - 2 * _E // _CHUNK)])
    sd2 = jnp.concatenate([sd_a, _pad_chunks(_EPAD2 // _CHUNK - _E // _CHUNK)])

    zrows = jnp.zeros((_RPT, 128), jnp.float32)

    (s1,) = _seg_sum_l1(tab, sd1, zrows)
    cnt = s1[:, _CNT_BASE:_CNT_BASE + 80, :].reshape(_NC, 10240)
    cnt = cnt[:, :_N].reshape(_NC, _N, 1)
    p2, r2 = _layer1(h0, s1, cnt, W_l1, b_l1.reshape(1, -1), W_r1,
                     a1.reshape(1, 1), W_l2, W_r2, b_l2.reshape(1, -1))
    (s2,) = _seg_sum_l2(p2, sd2, zrows)
    h2 = _layer2(s2, cnt, r2, a2.reshape(1, 1))
    return h2.reshape(1, -1)

# --- scband reference (transcript-rebuilt; emitter-appended) ---
"""Pipeline reference for scband-gnn-10831907521292 (READ-ONLY COPY).

The authoritative reference and input builder live on the scoring server;
editing this copy changes nothing except your own understanding.
"""

import jax, jax.numpy as jnp
import numpy as np

N = 10000
E = 320000
D_IN = 128
D_H = 256
D_OUT = 128

def _glorot(key, shape):
    fan_out, fan_in = shape[0], shape[1]
    limit = float(np.sqrt(6.0 / (fan_in + fan_out)))
    return jax.random.uniform(key, shape, minval=-limit, maxval=limit, dtype=jnp.float32)

def setup_inputs(seed: int = 0):
    key = jax.random.key(seed)
    ks = jax.random.split(key, 12)
    x = jax.random.normal(ks[0], (1, N, D_IN), dtype=jnp.float32)
    edge_index = jax.random.randint(ks[1], (1, E, 2), 0, N, dtype=jnp.int32)
    edge_weights = jax.random.normal(ks[2], (1, E), dtype=jnp.float32)
    edge_attr = jax.random.normal(ks[3], (1, E, 4), dtype=jnp.float32)
    W_l1 = _glorot(ks[4], (D_H, D_IN))
    b_l1 = jnp.zeros((D_H,), jnp.float32)
    W_r1 = _glorot(ks[5], (D_H, D_IN))
    a1 = jnp.full((1,), 0.25, jnp.float32)
    W_l2 = _glorot(ks[6], (D_OUT, D_H))
    b_l2 = jnp.zeros((D_OUT,), jnp.float32)
    W_r2 = _glorot(ks[7], (D_OUT, D_H))
    a2 = jnp.full((1,), 0.25, jnp.float32)
    return {"x": x, "edge_index": edge_index, "edge_weights": edge_weights, "edge_attr": edge_attr,
            "W_l1": W_l1, "b_l1": b_l1, "W_r1": W_r1, "a1": a1,
            "W_l2": W_l2, "b_l2": b_l2, "W_r2": W_r2, "a2": a2}

def reference(x, edge_index, edge_weights, edge_attr, W_l1, b_l1, W_r1, a1, W_l2, b_l2, W_r2, a2):
    # batch dim == 1 path of GNN.forward: edge_index[0].transpose -> (2, E)
    ei = edge_index[0].T
    src, dst = ei[0], ei[1]
    h = x[0]
    # SAGEConv (PyG default): out = lin_l(mean_j x_j) + lin_r(x), bias in lin_l
    ones = jnp.ones((E, 1), jnp.float32)
    cnt = jnp.maximum(jax.ops.segment_sum(ones, dst, num_segments=N), 1.0)
    def sage(h, Wl, bl, Wr):
        msg = h[src]
        agg = jax.ops.segment_sum(msg, dst, num_segments=N) / cnt
        return agg @ Wl.T + bl + h @ Wr.T
    def prelu(h, a):
        return jnp.where(h >= 0, h, a * h)
    h = prelu(sage(h, W_l1, b_l1, W_r1), a1)
    h = prelu(sage(h, W_l2, b_l2, W_r2), a2)
    # output reshaped to (..., n_nodes * n_output)
    return h.reshape(1, -1)

if __name__ == "__main__":
    import jax
    _d = setup_inputs()
    print(jax.jit(kernel)(*tuple(_d.values())))

</pallas_src>

<mosaic_0001>
#map = affine_map<(d0, d1) -> (0, 0)>
#map1 = affine_map<(d0, d1) -> (0, 0, 0)>
module attributes {stable_mosaic.version = 14 : i64} {
  func.func @_seg_sum_body(%arg0: i32, %arg1: i32, %arg2: memref<10128x128xf32, #tpu.memory_space<hbm>>, %arg3: memref<5024x2x128xi32, #tpu.memory_space<hbm>>, %arg4: memref<640x128xf32, #tpu.memory_space<hbm>>, %arg5: memref<2x10240x128xf32, #tpu.memory_space<hbm>>, %arg6: memref<2x128xi32, #tpu.memory_space<vmem>>, %arg7: memref<128x128xf32, #tpu.memory_space<vmem>>, %arg8: memref<10240x128xf32, #tpu.memory_space<vmem_shared>>, %arg9: memref<!tpu.dma_semaphore, #tpu.memory_space<semaphore_mem>>) attributes {dimension_semantics = [#tpu.dimension_semantics<core_parallel>, #tpu.dimension_semantics<subcore_parallel>], iteration_bounds = array<i64: 2, 16>, scalar_prefetch = 0 : i64, scratch_operands = 4 : i64, tpu.core_type = #tpu.core_type<sc_vector_subcore>, window_params = [{transform_indices = #map}, {transform_indices = #map1}, {transform_indices = #map}, {transform_indices = #map1}]} {
    %mul3A = arith.constant 2 : i32
    %mul3A_0 = arith.muli %arg1, %mul3A : i32
    %add3A = arith.addi %mul3A_0, %arg0 : i32
    %mul3A_1 = arith.constant 157 : i32
    %mul3A_2 = arith.muli %add3A, %mul3A_1 : i32
    %mul3A_3 = arith.constant 640 : i32
    %mul3A_4 = arith.muli %arg1, %mul3A_3 : i32
    "tpu.region"() ({
      %run_scoped3A = tpu.sem_alloc : memref<!tpu.dma_semaphore, #tpu.memory_space<semaphore_mem>>
      %dma_start3A = arith.constant 0 : i32
      %dma_start3A_15 = tpu.memref_slice %arg8[%mul3A_4, %dma_start3A] : memref<10240x128xf32, #tpu.memory_space<vmem_shared>> -> memref<640x128xf32, #tpu.memory_space<vmem_shared>>
      tpu.enqueue_dma source(%arg4 : memref<640x128xf32, #tpu.memory_space<hbm>>) target(%dma_start3A_15 : memref<640x128xf32, #tpu.memory_space<vmem_shared>>) target_semaphore(%run_scoped3A : memref<!tpu.dma_semaphore, #tpu.memory_space<semaphore_mem>>)
      %dma_wait3A = arith.constant 0 : i32
      %dma_wait3A_16 = tpu.memref_slice %arg8[%mul3A_4, %dma_wait3A] : memref<10240x128xf32, #tpu.memory_space<vmem_shared>> -> memref<640x128xf32, #tpu.memory_space<vmem_shared>>
      tpu.wait_dma2 semaphore(%run_scoped3A : memref<!tpu.dma_semaphore, #tpu.memory_space<semaphore_mem>>) src(%arg4 : memref<640x128xf32, #tpu.memory_space<hbm>>) dst(%dma_wait3A_16 : memref<640x128xf32, #tpu.memory_space<vmem_shared>>)
      tpu.yield
    }) : () -> ()
    %barrier3A = arith.constant 0 : index
    tpu.barrier barrier_id(%barrier3A)
    %scan3A = arith.constant 0 : i32
    %scan3A_5 = arith.constant 0 : i32
    %scan3A_6 = arith.constant 157 : i32
    %scan3A_7 = arith.addi %scan3A_5, %scan3A_6 : i32
    %scan3A_8 = arith.constant 1 : i32
    scf.for %scan3A_15 = %scan3A_5 to %scan3A_7 step %scan3A_8  : i32 {
      %add3A_16 = arith.addi %mul3A_2, %scan3A_15 : i32
      "tpu.region"() ({
        %run_scoped3A_29 = tpu.sem_alloc : memref<!tpu.dma_semaphore, #tpu.memory_space<semaphore_mem>>
        %dma_start3A_30 = arith.constant 0 : i32
        %dma_start3A_31 = arith.constant 0 : i32
        %dma_start3A_32 = tpu.memref_slice %arg3[%add3A_16, %dma_start3A_30, %dma_start3A_31] : memref<5024x2x128xi32, #tpu.memory_space<hbm>> -> memref<1x2x128xi32, #tpu.memory_space<hbm>>
        %dma_start3A_33 = tpu.memref_squeeze %dma_start3A_32 : memref<1x2x128xi32, #tpu.memory_space<hbm>> -> memref<2x128xi32, #tpu.memory_space<hbm>>
        %dma_start3A_34 = arith.constant 0 : i32
        %dma_start3A_35 = arith.constant 0 : i32
        %dma_start3A_36 = tpu.memref_slice %arg3[%add3A_16, %dma_start3A_34, %dma_start3A_35] : memref<5024x2x128xi32, #tpu.memory_space<hbm>> -> memref<1x2x128xi32, #tpu.memory_space<hbm>>
        %dma_start3A_37 = tpu.memref_squeeze %dma_start3A_36 : memref<1x2x128xi32, #tpu.memory_space<hbm>> -> memref<2x128xi32, #tpu.memory_space<hbm>>
        tpu.enqueue_dma source(%dma_start3A_37 : memref<2x128xi32, #tpu.memory_space<hbm>>) target(%arg6 : memref<2x128xi32, #tpu.memory_space<vmem>>) target_semaphore(%run_scoped3A_29 : memref<!tpu.dma_semaphore, #tpu.memory_space<semaphore_mem>>)
        %dma_wait3A_38 = arith.constant 0 : i32
        %dma_wait3A_39 = arith.constant 0 : i32
        %dma_wait3A_40 = tpu.memref_slice %arg3[%add3A_16, %dma_wait3A_38, %dma_wait3A_39] : memref<5024x2x128xi32, #tpu.memory_space<hbm>> -> memref<1x2x128xi32, #tpu.memory_space<hbm>>
        %dma_wait3A_41 = tpu.memref_squeeze %dma_wait3A_40 : memref<1x2x128xi32, #tpu.memory_space<hbm>> -> memref<2x128xi32, #tpu.memory_space<hbm>>
        %dma_wait3A_42 = arith.constant 0 : i32
        %dma_wait3A_43 = arith.constant 0 : i32
        %dma_wait3A_44 = tpu.memref_slice %arg3[%add3A_16, %dma_wait3A_42, %dma_wait3A_43] : memref<5024x2x128xi32, #tpu.memory_space<hbm>> -> memref<1x2x128xi32, #tpu.memory_space<hbm>>
        %dma_wait3A_45 = tpu.memref_squeeze %dma_wait3A_44 : memref<1x2x128xi32, #tpu.memory_space<hbm>> -> memref<2x128xi32, #tpu.memory_space<hbm>>
        tpu.wait_dma2 semaphore(%run_scoped3A_29 : memref<!tpu.dma_semaphore, #tpu.memory_space<semaphore_mem>>) src(%dma_wait3A_45 : memref<2x128xi32, #tpu.memory_space<hbm>>) dst(%arg6 : memref<2x128xi32, #tpu.memory_space<vmem>>)
        tpu.yield
      }) : () -> ()
      %dma_start3A = arith.constant 0 : i32
      %dma_start3A_17 = arith.constant 0 : i32
      %dma_start3A_18 = tpu.memref_slice %arg6[%dma_start3A, %dma_start3A_17] : memref<2x128xi32, #tpu.memory_space<vmem>> -> memref<1x128xi32, #tpu.memory_space<vmem>>
      %dma_start3A_19 = tpu.memref_squeeze %dma_start3A_18 : memref<1x128xi32, #tpu.memory_space<vmem>> -> memref<128xi32, #tpu.memory_space<vmem>>
      %dma_start3A_20 = arith.constant 0 : i32
      %dma_start3A_21 = arith.constant 0 : i32
      %dma_start3A_22 = tpu.memref_slice %arg2[%dma_start3A_20, %dma_start3A_21] : memref<10128x128xf32, #tpu.memory_space<hbm>> -> memref<10128x128xf32, #tpu.memory_space<hbm>>
      tpu.enqueue_indirect_dma source(%dma_start3A_22 : memref<10128x128xf32, #tpu.memory_space<hbm>>) target(%arg7 : memref<128x128xf32, #tpu.memory_space<vmem>>) offsets(%dma_start3A_19 : memref<128xi32, #tpu.memory_space<vmem>>) semaphore(%arg9 : memref<!tpu.dma_semaphore, #tpu.memory_space<semaphore_mem>>)
      %dma_wait3A = arith.constant 0 : i32
      %dma_wait3A_23 = arith.constant 0 : i32
      %dma_wait3A_24 = tpu.memref_slice %arg6[%dma_wait3A, %dma_wait3A_23] : memref<2x128xi32, #tpu.memory_space<vmem>> -> memref<1x128xi32, #tpu.memory_space<vmem>>
      %dma_wait3A_25 = tpu.memref_squeeze %dma_wait3A_24 : memref<1x128xi32, #tpu.memory_space<vmem>> -> memref<128xi32, #tpu.memory_space<vmem>>
      %dma_wait3A_26 = arith.constant 0 : i32
      %dma_wait3A_27 = arith.constant 0 : i32
      %dma_wait3A_28 = tpu.memref_slice %arg2[%dma_wait3A_26, %dma_wait3A_27] : memref<10128x128xf32, #tpu.memory_space<hbm>> -> memref<10128x128xf32, #tpu.memory_space<hbm>>
      tpu.wait_indirect_dma semaphore(%arg9 : memref<!tpu.dma_semaphore, #tpu.memory_space<semaphore_mem>>) src(%dma_wait3A_28 : memref<10128x128xf32, #tpu.memory_space<hbm>>) dst(%arg7 : memref<128x128xf32, #tpu.memory_space<vmem>>)
      %run_scoped3A = arith.constant 1 : i32
      "tpu.region"() ({
        %run_scoped3A_29 = tpu.sem_alloc : memref<!tpu.dma_semaphore, #tpu.memory_space<semaphore_mem>>
        %dma_start3A_30 = arith.constant 0 : i32
        %dma_start3A_31 = tpu.memref_slice %arg6[%run_scoped3A, %dma_start3A_30] : memref<2x128xi32, #tpu.memory_space<vmem>> -> memref<1x128xi32, #tpu.memory_space<vmem>>
        %dma_start3A_32 = tpu.memref_squeeze %dma_start3A_31 : memref<1x128xi32, #tpu.memory_space<vmem>> -> memref<128xi32, #tpu.memory_space<vmem>>
        %dma_start3A_33 = arith.constant 0 : i32
        %dma_start3A_34 = arith.constant 0 : i32
        %dma_start3A_35 = tpu.memref_slice %arg8[%dma_start3A_33, %dma_start3A_34] : memref<10240x128xf32, #tpu.memory_space<vmem_shared>> -> memref<10240x128xf32, #tpu.memory_space<vmem_shared>>
        tpu.enqueue_indirect_dma source(%arg7 : memref<128x128xf32, #tpu.memory_space<vmem>>) target(%dma_start3A_35 : memref<10240x128xf32, #tpu.memory_space<vmem_shared>>) offsets(%dma_start3A_32 : memref<128xi32, #tpu.memory_space<vmem>>) semaphore(%run_scoped3A_29 : memref<!tpu.dma_semaphore, #tpu.memory_space<semaphore_mem>>) {add = true}
        %dma_wait3A_36 = arith.constant 0 : i32
        %dma_wait3A_37 = tpu.memref_slice %arg6[%run_scoped3A, %dma_wait3A_36] : memref<2x128xi32, #tpu.memory_space<vmem>> -> memref<1x128xi32, #tpu.memory_space<vmem>>
        %dma_wait3A_38 = tpu.memref_squeeze %dma_wait3A_37 : memref<1x128xi32, #tpu.memory_space<vmem>> -> memref<128xi32, #tpu.memory_space<vmem>>
        %dma_wait3A_39 = arith.constant 0 : i32
        %dma_wait3A_40 = arith.constant 0 : i32
        %dma_wait3A_41 = tpu.memref_slice %arg8[%dma_wait3A_39, %dma_wait3A_40] : memref<10240x128xf32, #tpu.memory_space<vmem_shared>> -> memref<10240x128xf32, #tpu.memory_space<vmem_shared>>
        tpu.wait_indirect_dma semaphore(%run_scoped3A_29 : memref<!tpu.dma_semaphore, #tpu.memory_space<semaphore_mem>>) src(%arg7 : memref<128x128xf32, #tpu.memory_space<vmem>>) dst(%dma_wait3A_41 : memref<10240x128xf32, #tpu.memory_space<vmem_shared>>)
        tpu.yield
      }) : () -> ()
    }
    %scan3A_9 = arith.constant 157 : i32
    %barrier3A_10 = arith.constant 0 : index
    tpu.barrier barrier_id(%barrier3A_10)
    %mul3A_11 = arith.constant 640 : i32
    %mul3A_12 = arith.muli %arg1, %mul3A_11 : i32
    %mul3A_13 = arith.constant 640 : i32
    %mul3A_14 = arith.muli %arg1, %mul3A_13 : i32
    "tpu.region"() ({
      %run_scoped3A = tpu.sem_alloc : memref<!tpu.dma_semaphore, #tpu.memory_space<semaphore_mem>>
      %dma_start3A = arith.constant 0 : i32
      %dma_start3A_15 = arith.constant 0 : i32
      %dma_start3A_16 = tpu.memref_slice %arg5[%arg0, %dma_start3A, %dma_start3A_15] : memref<2x10240x128xf32, #tpu.memory_space<hbm>> -> memref<1x10240x128xf32, #tpu.memory_space<hbm>>
      %dma_start3A_17 = tpu.memref_squeeze %dma_start3A_16 : memref<1x10240x128xf32, #tpu.memory_space<hbm>> -> memref<10240x128xf32, #tpu.memory_space<hbm>>
      %dma_start3A_18 = arith.constant 0 : i32
      %dma_start3A_19 = tpu.memref_slice %dma_start3A_17[%mul3A_14, %dma_start3A_18] : memref<10240x128xf32, #tpu.memory_space<hbm>> -> memref<640x128xf32, #tpu.memory_space<hbm>>
      %dma_start3A_20 = arith.constant 0 : i32
      %dma_start3A_21 = tpu.memref_slice %arg8[%mul3A_12, %dma_start3A_20] : memref<10240x128xf32, #tpu.memory_space<vmem_shared>> -> memref<640x128xf32, #tpu.memory_space<vmem_shared>>
      tpu.enqueue_dma source(%dma_start3A_21 : memref<640x128xf32, #tpu.memory_space<vmem_shared>>) target(%dma_start3A_19 : memref<640x128xf32, #tpu.memory_space<hbm>>) target_semaphore(%run_scoped3A : memref<!tpu.dma_semaphore, #tpu.memory_space<semaphore_mem>>)
      %dma_wait3A = arith.constant 0 : i32
      %dma_wait3A_22 = arith.constant 0 : i32
      %dma_wait3A_23 = tpu.memref_slice %arg5[%arg0, %dma_wait3A, %dma_wait3A_22] : memref<2x10240x128xf32, #tpu.memory_space<hbm>> -> memref<1x10240x128xf32, #tpu.memory_space<hbm>>
      %dma_wait3A_24 = tpu.memref_squeeze %dma_wait3A_23 : memref<1x10240x128xf32, #tpu.memory_space<hbm>> -> memref<10240x128xf32, #tpu.memory_space<hbm>>
      %dma_wait3A_25 = arith.constant 0 : i32
      %dma_wait3A_26 = tpu.memref_slice %dma_wait3A_24[%mul3A_14, %dma_wait3A_25] : memref<10240x128xf32, #tpu.memory_space<hbm>> -> memref<640x128xf32, #tpu.memory_space<hbm>>
      %dma_wait3A_27 = arith.constant 0 : i32
      %dma_wait3A_28 = tpu.memref_slice %arg8[%mul3A_12, %dma_wait3A_27] : memref<10240x128xf32, #tpu.memory_space<vmem_shared>> -> memref<640x128xf32, #tpu.memory_space<vmem_shared>>
      tpu.wait_dma2 semaphore(%run_scoped3A : memref<!tpu.dma_semaphore, #tpu.memory_space<semaphore_mem>>) src(%dma_wait3A_28 : memref<640x128xf32, #tpu.memory_space<vmem_shared>>) dst(%dma_wait3A_26 : memref<640x128xf32, #tpu.memory_space<hbm>>)
      tpu.yield
    }) : () -> ()
    return
  }
}

#map = affine_map<(d0, d1) -> (0, 0)>
#map1 = affine_map<(d0, d1) -> (0, 0, 0)>
module attributes {stable_mosaic.version = 14 : i64} {
  func.func @_seg_sum_body(%arg0: i32, %arg1: i32, %arg2: memref<10000x128xf32, #tpu.memory_space<hbm>>, %arg3: memref<2528x2x128xi32, #tpu.memory_space<hbm>>, %arg4: memref<640x128xf32, #tpu.memory_space<hbm>>, %arg5: memref<2x10240x128xf32, #tpu.memory_space<hbm>>, %arg6: memref<2x128xi32, #tpu.memory_space<vmem>>, %arg7: memref<128x128xf32, #tpu.memory_space<vmem>>, %arg8: memref<10240x128xf32, #tpu.memory_space<vmem_shared>>, %arg9: memref<!tpu.dma_semaphore, #tpu.memory_space<semaphore_mem>>) attributes {dimension_semantics = [#tpu.dimension_semantics<core_parallel>, #tpu.dimension_semantics<subcore_parallel>], iteration_bounds = array<i64: 2, 16>, scalar_prefetch = 0 : i64, scratch_operands = 4 : i64, tpu.core_type = #tpu.core_type<sc_vector_subcore>, window_params = [{transform_indices = #map}, {transform_indices = #map1}, {transform_indices = #map}, {transform_indices = #map1}]} {
    %mul3A = arith.constant 2 : i32
    %mul3A_0 = arith.muli %arg1, %mul3A : i32
    %add3A = arith.addi %mul3A_0, %arg0 : i32
    %mul3A_1 = arith.constant 79 : i32
    %mul3A_2 = arith.muli %add3A, %mul3A_1 : i32
    %mul3A_3 = arith.constant 640 : i32
    %mul3A_4 = arith.muli %arg1, %mul3A_3 : i32
    "tpu.region"() ({
      %run_scoped3A = tpu.sem_alloc : memref<!tpu.dma_semaphore, #tpu.memory_space<semaphore_mem>>
      %dma_start3A = arith.constant 0 : i32
      %dma_start3A_15 = tpu.memref_slice %arg8[%mul3A_4, %dma_start3A] : memref<10240x128xf32, #tpu.memory_space<vmem_shared>> -> memref<640x128xf32, #tpu.memory_space<vmem_shared>>
      tpu.enqueue_dma source(%arg4 : memref<640x128xf32, #tpu.memory_space<hbm>>) target(%dma_start3A_15 : memref<640x128xf32, #tpu.memory_space<vmem_shared>>) target_semaphore(%run_scoped3A : memref<!tpu.dma_semaphore, #tpu.memory_space<semaphore_mem>>)
      %dma_wait3A = arith.constant 0 : i32
      %dma_wait3A_16 = tpu.memref_slice %arg8[%mul3A_4, %dma_wait3A] : memref<10240x128xf32, #tpu.memory_space<vmem_shared>> -> memref<640x128xf32, #tpu.memory_space<vmem_shared>>
      tpu.wait_dma2 semaphore(%run_scoped3A : memref<!tpu.dma_semaphore, #tpu.memory_space<semaphore_mem>>) src(%arg4 : memref<640x128xf32, #tpu.memory_space<hbm>>) dst(%dma_wait3A_16 : memref<640x128xf32, #tpu.memory_space<vmem_shared>>)
      tpu.yield
    }) : () -> ()
    %barrier3A = arith.constant 0 : index
    tpu.barrier barrier_id(%barrier3A)
    %scan3A = arith.constant 0 : i32
    %scan3A_5 = arith.constant 0 : i32
    %scan3A_6 = arith.constant 79 : i32
    %scan3A_7 = arith.addi %scan3A_5, %scan3A_6 : i32
    %scan3A_8 = arith.constant 1 : i32
    scf.for %scan3A_15 = %scan3A_5 to %scan3A_7 step %scan3A_8  : i32 {
      %add3A_16 = arith.addi %mul3A_2, %scan3A_15 : i32
      "tpu.region"() ({
        %run_scoped3A_29 = tpu.sem_alloc : memref<!tpu.dma_semaphore, #tpu.memory_space<semaphore_mem>>
        %dma_start3A_30 = arith.constant 0 : i32
        %dma_start3A_31 = arith.constant 0 : i32
        %dma_start3A_32 = tpu.memref_slice %arg3[%add3A_16, %dma_start3A_30, %dma_start3A_31] : memref<2528x2x128xi32, #tpu.memory_space<hbm>> -> memref<1x2x128xi32, #tpu.memory_space<hbm>>
        %dma_start3A_33 = tpu.memref_squeeze %dma_start3A_32 : memref<1x2x128xi32, #tpu.memory_space<hbm>> -> memref<2x128xi32, #tpu.memory_space<hbm>>
        %dma_start3A_34 = arith.constant 0 : i32
        %dma_start3A_35 = arith.constant 0 : i32
        %dma_start3A_36 = tpu.memref_slice %arg3[%add3A_16, %dma_start3A_34, %dma_start3A_35] : memref<2528x2x128xi32, #tpu.memory_space<hbm>> -> memref<1x2x128xi32, #tpu.memory_space<hbm>>
        %dma_start3A_37 = tpu.memref_squeeze %dma_start3A_36 : memref<1x2x128xi32, #tpu.memory_space<hbm>> -> memref<2x128xi32, #tpu.memory_space<hbm>>
        tpu.enqueue_dma source(%dma_start3A_37 : memref<2x128xi32, #tpu.memory_space<hbm>>) target(%arg6 : memref<2x128xi32, #tpu.memory_space<vmem>>) target_semaphore(%run_scoped3A_29 : memref<!tpu.dma_semaphore, #tpu.memory_space<semaphore_mem>>)
        %dma_wait3A_38 = arith.constant 0 : i32
        %dma_wait3A_39 = arith.constant 0 : i32
        %dma_wait3A_40 = tpu.memref_slice %arg3[%add3A_16, %dma_wait3A_38, %dma_wait3A_39] : memref<2528x2x128xi32, #tpu.memory_space<hbm>> -> memref<1x2x128xi32, #tpu.memory_space<hbm>>
        %dma_wait3A_41 = tpu.memref_squeeze %dma_wait3A_40 : memref<1x2x128xi32, #tpu.memory_space<hbm>> -> memref<2x128xi32, #tpu.memory_space<hbm>>
        %dma_wait3A_42 = arith.constant 0 : i32
        %dma_wait3A_43 = arith.constant 0 : i32
        %dma_wait3A_44 = tpu.memref_slice %arg3[%add3A_16, %dma_wait3A_42, %dma_wait3A_43] : memref<2528x2x128xi32, #tpu.memory_space<hbm>> -> memref<1x2x128xi32, #tpu.memory_space<hbm>>
        %dma_wait3A_45 = tpu.memref_squeeze %dma_wait3A_44 : memref<1x2x128xi32, #tpu.memory_space<hbm>> -> memref<2x128xi32, #tpu.memory_space<hbm>>
        tpu.wait_dma2 semaphore(%run_scoped3A_29 : memref<!tpu.dma_semaphore, #tpu.memory_space<semaphore_mem>>) src(%dma_wait3A_45 : memref<2x128xi32, #tpu.memory_space<hbm>>) dst(%arg6 : memref<2x128xi32, #tpu.memory_space<vmem>>)
        tpu.yield
      }) : () -> ()
      %dma_start3A = arith.constant 0 : i32
      %dma_start3A_17 = arith.constant 0 : i32
      %dma_start3A_18 = tpu.memref_slice %arg6[%dma_start3A, %dma_start3A_17] : memref<2x128xi32, #tpu.memory_space<vmem>> -> memref<1x128xi32, #tpu.memory_space<vmem>>
      %dma_start3A_19 = tpu.memref_squeeze %dma_start3A_18 : memref<1x128xi32, #tpu.memory_space<vmem>> -> memref<128xi32, #tpu.memory_space<vmem>>
      %dma_start3A_20 = arith.constant 0 : i32
      %dma_start3A_21 = arith.constant 0 : i32
      %dma_start3A_22 = tpu.memref_slice %arg2[%dma_start3A_20, %dma_start3A_21] : memref<10000x128xf32, #tpu.memory_space<hbm>> -> memref<10000x128xf32, #tpu.memory_space<hbm>>
      tpu.enqueue_indirect_dma source(%dma_start3A_22 : memref<10000x128xf32, #tpu.memory_space<hbm>>) target(%arg7 : memref<128x128xf32, #tpu.memory_space<vmem>>) offsets(%dma_start3A_19 : memref<128xi32, #tpu.memory_space<vmem>>) semaphore(%arg9 : memref<!tpu.dma_semaphore, #tpu.memory_space<semaphore_mem>>)
      %dma_wait3A = arith.constant 0 : i32
      %dma_wait3A_23 = arith.constant 0 : i32
      %dma_wait3A_24 = tpu.memref_slice %arg6[%dma_wait3A, %dma_wait3A_23] : memref<2x128xi32, #tpu.memory_space<vmem>> -> memref<1x128xi32, #tpu.memory_space<vmem>>
      %dma_wait3A_25 = tpu.memref_squeeze %dma_wait3A_24 : memref<1x128xi32, #tpu.memory_space<vmem>> -> memref<128xi32, #tpu.memory_space<vmem>>
      %dma_wait3A_26 = arith.constant 0 : i32
      %dma_wait3A_27 = arith.constant 0 : i32
      %dma_wait3A_28 = tpu.memref_slice %arg2[%dma_wait3A_26, %dma_wait3A_27] : memref<10000x128xf32, #tpu.memory_space<hbm>> -> memref<10000x128xf32, #tpu.memory_space<hbm>>
      tpu.wait_indirect_dma semaphore(%arg9 : memref<!tpu.dma_semaphore, #tpu.memory_space<semaphore_mem>>) src(%dma_wait3A_28 : memref<10000x128xf32, #tpu.memory_space<hbm>>) dst(%arg7 : memref<128x128xf32, #tpu.memory_space<vmem>>)
      %run_scoped3A = arith.constant 1 : i32
      "tpu.region"() ({
        %run_scoped3A_29 = tpu.sem_alloc : memref<!tpu.dma_semaphore, #tpu.memory_space<semaphore_mem>>
        %dma_start3A_30 = arith.constant 0 : i32
        %dma_start3A_31 = tpu.memref_slice %arg6[%run_scoped3A, %dma_start3A_30] : memref<2x128xi32, #tpu.memory_space<vmem>> -> memref<1x128xi32, #tpu.memory_space<vmem>>
        %dma_start3A_32 = tpu.memref_squeeze %dma_start3A_31 : memref<1x128xi32, #tpu.memory_space<vmem>> -> memref<128xi32, #tpu.memory_space<vmem>>
        %dma_start3A_33 = arith.constant 0 : i32
        %dma_start3A_34 = arith.constant 0 : i32
        %dma_start3A_35 = tpu.memref_slice %arg8[%dma_start3A_33, %dma_start3A_34] : memref<10240x128xf32, #tpu.memory_space<vmem_shared>> -> memref<10240x128xf32, #tpu.memory_space<vmem_shared>>
        tpu.enqueue_indirect_dma source(%arg7 : memref<128x128xf32, #tpu.memory_space<vmem>>) target(%dma_start3A_35 : memref<10240x128xf32, #tpu.memory_space<vmem_shared>>) offsets(%dma_start3A_32 : memref<128xi32, #tpu.memory_space<vmem>>) semaphore(%run_scoped3A_29 : memref<!tpu.dma_semaphore, #tpu.memory_space<semaphore_mem>>) {add = true}
        %dma_wait3A_36 = arith.constant 0 : i32
        %dma_wait3A_37 = tpu.memref_slice %arg6[%run_scoped3A, %dma_wait3A_36] : memref<2x128xi32, #tpu.memory_space<vmem>> -> memref<1x128xi32, #tpu.memory_space<vmem>>
        %dma_wait3A_38 = tpu.memref_squeeze %dma_wait3A_37 : memref<1x128xi32, #tpu.memory_space<vmem>> -> memref<128xi32, #tpu.memory_space<vmem>>
        %dma_wait3A_39 = arith.constant 0 : i32
        %dma_wait3A_40 = arith.constant 0 : i32
        %dma_wait3A_41 = tpu.memref_slice %arg8[%dma_wait3A_39, %dma_wait3A_40] : memref<10240x128xf32, #tpu.memory_space<vmem_shared>> -> memref<10240x128xf32, #tpu.memory_space<vmem_shared>>
        tpu.wait_indirect_dma semaphore(%run_scoped3A_29 : memref<!tpu.dma_semaphore, #tpu.memory_space<semaphore_mem>>) src(%arg7 : memref<128x128xf32, #tpu.memory_space<vmem>>) dst(%dma_wait3A_41 : memref<10240x128xf32, #tpu.memory_space<vmem_shared>>)
        tpu.yield
      }) : () -> ()
    }
    %scan3A_9 = arith.constant 79 : i32
    %barrier3A_10 = arith.constant 0 : index
    tpu.barrier barrier_id(%barrier3A_10)
    %mul3A_11 = arith.constant 640 : i32
    %mul3A_12 = arith.muli %arg1, %mul3A_11 : i32
    %mul3A_13 = arith.constant 640 : i32
    %mul3A_14 = arith.muli %arg1, %mul3A_13 : i32
    "tpu.region"() ({
      %run_scoped3A = tpu.sem_alloc : memref<!tpu.dma_semaphore, #tpu.memory_space<semaphore_mem>>
      %dma_start3A = arith.constant 0 : i32
      %dma_start3A_15 = arith.constant 0 : i32
      %dma_start3A_16 = tpu.memref_slice %arg5[%arg0, %dma_start3A, %dma_start3A_15] : memref<2x10240x128xf32, #tpu.memory_space<hbm>> -> memref<1x10240x128xf32, #tpu.memory_space<hbm>>
      %dma_start3A_17 = tpu.memref_squeeze %dma_start3A_16 : memref<1x10240x128xf32, #tpu.memory_space<hbm>> -> memref<10240x128xf32, #tpu.memory_space<hbm>>
      %dma_start3A_18 = arith.constant 0 : i32
      %dma_start3A_19 = tpu.memref_slice %dma_start3A_17[%mul3A_14, %dma_start3A_18] : memref<10240x128xf32, #tpu.memory_space<hbm>> -> memref<640x128xf32, #tpu.memory_space<hbm>>
      %dma_start3A_20 = arith.constant 0 : i32
      %dma_start3A_21 = tpu.memref_slice %arg8[%mul3A_12, %dma_start3A_20] : memref<10240x128xf32, #tpu.memory_space<vmem_shared>> -> memref<640x128xf32, #tpu.memory_space<vmem_shared>>
      tpu.enqueue_dma source(%dma_start3A_21 : memref<640x128xf32, #tpu.memory_space<vmem_shared>>) target(%dma_start3A_19 : memref<640x128xf32, #tpu.memory_space<hbm>>) target_semaphore(%run_scoped3A : memref<!tpu.dma_semaphore, #tpu.memory_space<semaphore_mem>>)
      %dma_wait3A = arith.constant 0 : i32
      %dma_wait3A_22 = arith.constant 0 : i32
      %dma_wait3A_23 = tpu.memref_slice %arg5[%arg0, %dma_wait3A, %dma_wait3A_22] : memref<2x10240x128xf32, #tpu.memory_space<hbm>> -> memref<1x10240x128xf32, #tpu.memory_space<hbm>>
      %dma_wait3A_24 = tpu.memref_squeeze %dma_wait3A_23 : memref<1x10240x128xf32, #tpu.memory_space<hbm>> -> memref<10240x128xf32, #tpu.memory_space<hbm>>
      %dma_wait3A_25 = arith.constant 0 : i32
      %dma_wait3A_26 = tpu.memref_slice %dma_wait3A_24[%mul3A_14, %dma_wait3A_25] : memref<10240x128xf32, #tpu.memory_space<hbm>> -> memref<640x128xf32, #tpu.memory_space<hbm>>
      %dma_wait3A_27 = arith.constant 0 : i32
      %dma_wait3A_28 = tpu.memref_slice %arg8[%mul3A_12, %dma_wait3A_27] : memref<10240x128xf32, #tpu.memory_space<vmem_shared>> -> memref<640x128xf32, #tpu.memory_space<vmem_shared>>
      tpu.wait_dma2 semaphore(%run_scoped3A : memref<!tpu.dma_semaphore, #tpu.memory_space<semaphore_mem>>) src(%dma_wait3A_28 : memref<640x128xf32, #tpu.memory_space<vmem_shared>>) dst(%dma_wait3A_26 : memref<640x128xf32, #tpu.memory_space<hbm>>)
      tpu.yield
    }) : () -> ()
    return
  }
}

module attributes {stable_mosaic.version = 14 : i64} {
  func.func @_layer1_body(%arg0: i32, %arg1: memref<1000x128xf32, #tpu.memory_space<vmem>>, %arg2: memref<2x1000x128xf32, #tpu.memory_space<vmem>>, %arg3: memref<2x1000x1xf32, #tpu.memory_space<vmem>>, %arg4: memref<256x128xf32, #tpu.memory_space<vmem>>, %arg5: memref<1x256xf32, #tpu.memory_space<vmem>>, %arg6: memref<256x128xf32, #tpu.memory_space<vmem>>, %arg7: memref<1x1xf32, #tpu.memory_space<vmem>>, %arg8: memref<128x256xf32, #tpu.memory_space<vmem>>, %arg9: memref<128x256xf32, #tpu.memory_space<vmem>>, %arg10: memref<1x128xf32, #tpu.memory_space<vmem>>, %arg11: memref<1000x128xf32, #tpu.memory_space<vmem>>, %arg12: memref<1000x128xf32, #tpu.memory_space<vmem>>) attributes {dimension_semantics = [#tpu.dimension_semantics<arbitrary>], iteration_bounds = array<i64: 10>, scalar_prefetch = 0 : i64, scratch_operands = 0 : i64, tpu.core_type = #tpu.core_type<tc>, window_params = [{transform_indices = @transform_0, window_bounds = array<i64: 1000, 128>}, {transform_indices = @transform_1, window_bounds = array<i64: 2, 1000, 128>}, {transform_indices = @transform_2, window_bounds = array<i64: 2, 1000, 1>}, {pipeline_mode = #tpu.pipeline_mode<synchronous>, transform_indices = @transform_3, window_bounds = array<i64: 256, 128>}, {pipeline_mode = #tpu.pipeline_mode<synchronous>, transform_indices = @transform_4, window_bounds = array<i64: 1, 256>}, {pipeline_mode = #tpu.pipeline_mode<synchronous>, transform_indices = @transform_5, window_bounds = array<i64: 256, 128>}, {pipeline_mode = #tpu.pipeline_mode<synchronous>, transform_indices = @transform_6, window_bounds = array<i64: 1, 1>}, {pipeline_mode = #tpu.pipeline_mode<synchronous>, transform_indices = @transform_7, window_bounds = array<i64: 128, 256>}, {pipeline_mode = #tpu.pipeline_mode<synchronous>, transform_indices = @transform_8, window_bounds = array<i64: 128, 256>}, {pipeline_mode = #tpu.pipeline_mode<synchronous>, transform_indices = @transform_9, window_bounds = array<i64: 1, 128>}, {transform_indices = @transform_10, window_bounds = array<i64: 1000, 128>}, {transform_indices = @transform_11, window_bounds = array<i64: 1000, 128>}]} {
    %get3A = arith.constant 0 : index
    %get3A_0 = arith.constant 0 : index
    %get3A_1 = arith.constant 0 : index
    %get3A_2 = vector.load %arg2[%get3A, %get3A_0, %get3A_1] : memref<2x1000x128xf32, #tpu.memory_space<vmem>>, vector<1x1000x128xf32>
    %get3A_3 = vector.shape_cast %get3A_2 : vector<1x1000x128xf32> to vector<1000x128xf32>
    %get3A_4 = arith.constant 1 : index
    %get3A_5 = arith.constant 0 : index
    %get3A_6 = arith.constant 0 : index
    %get3A_7 = vector.load %arg2[%get3A_4, %get3A_5, %get3A_6] : memref<2x1000x128xf32, #tpu.memory_space<vmem>>, vector<1x1000x128xf32>
    %get3A_8 = vector.shape_cast %get3A_7 : vector<1x1000x128xf32> to vector<1000x128xf32>
    %add3A = arith.addf %get3A_3, %get3A_8 : vector<1000x128xf32>
    %get3A_9 = arith.constant 0 : index
    %get3A_10 = arith.constant 0 : index
    %get3A_11 = arith.constant 0 : index
    %get3A_12 = vector.load %arg3[%get3A_9, %get3A_10, %get3A_11] : memref<2x1000x1xf32, #tpu.memory_space<vmem>>, vector<1x1000x1xf32>
    %get3A_13 = vector.shape_cast %get3A_12 : vector<1x1000x1xf32> to vector<1000x1xf32>
    %get3A_14 = arith.constant 1 : index
    %get3A_15 = arith.constant 0 : index
    %get3A_16 = arith.constant 0 : index
    %get3A_17 = vector.load %arg3[%get3A_14, %get3A_15, %get3A_16] : memref<2x1000x1xf32, #tpu.memory_space<vmem>>, vector<1x1000x1xf32>
    %get3A_18 = vector.shape_cast %get3A_17 : vector<1x1000x1xf32> to vector<1000x1xf32>
    %add3A_19 = arith.addf %get3A_13, %get3A_18 : vector<1000x1xf32>
    %max3A = arith.constant 1.000000e+00 : f32
    %max3A_20 = vector.broadcast %max3A : f32 to vector<1000x1xf32>
    %max3A_21 = arith.maximumf %add3A_19, %max3A_20 : vector<1000x1xf32>
    %div3A = vector.broadcast %max3A_21 : vector<1000x1xf32> to vector<1000x128xf32>
    %div3A_22 = arith.divf %add3A, %div3A : vector<1000x128xf32>
    %get3A_23 = arith.constant 0 : index
    %get3A_24 = arith.constant 0 : index
    %get3A_25 = vector.load %arg4[%get3A_23, %get3A_24] : memref<256x128xf32, #tpu.memory_space<vmem>>, vector<256x128xf32>
    %dot_general3A = arith.constant dense<0.000000e+00> : vector<1000x256xf32>
    %dot_general3A_26 = tpu.matmul %div3A_22, %get3A_25, %dot_general3A {dimension_numbers = #tpu.dot_dimension_numbers<[1], [1], [0], [0], [0, 0, 1, 0], [], []>, transpose_lhs_hint = false} : vector<1000x128xf32>, vector<256x128xf32>, vector<1000x256xf32> -> vector<1000x256xf32>
    %get3A_27 = arith.constant 0 : index
    %get3A_28 = arith.constant 0 : index
    %get3A_29 = vector.load %arg1[%get3A_27, %get3A_28] : memref<1000x128xf32, #tpu.memory_space<vmem>>, vector<1000x128xf32>
    %get3A_30 = arith.constant 0 : index
    %get3A_31 = arith.constant 0 : index
    %get3A_32 = vector.load %arg6[%get3A_30, %get3A_31] : memref<256x128xf32, #tpu.memory_space<vmem>>, vector<256x128xf32>
    %dot_general3A_33 = arith.constant dense<0.000000e+00> : vector<1000x256xf32>
    %dot_general3A_34 = tpu.matmul %get3A_29, %get3A_32, %dot_general3A_33 {dimension_numbers = #tpu.dot_dimension_numbers<[1], [1], [0], [0], [0, 0, 1, 0], [], []>, transpose_lhs_hint = false} : vector<1000x128xf32>, vector<256x128xf32>, vector<1000x256xf32> -> vector<1000x256xf32>
    %add3A_35 = arith.addf %dot_general3A_26, %dot_general3A_34 : vector<1000x256xf32>
    %get3A_36 = arith.constant 0 : index
    %get3A_37 = arith.constant 0 : index
    %get3A_38 = vector.load %arg5[%get3A_36, %get3A_37] : memref<1x256xf32, #tpu.memory_space<vmem>>, vector<1x256xf32>
    %add3A_39 = vector.broadcast %get3A_38 : vector<1x256xf32> to vector<1000x256xf32>
    %add3A_40 = arith.addf %add3A_35, %add3A_39 : vector<1000x256xf32>
    %get3A_41 = arith.constant 0 : index
    %get3A_42 = arith.constant 0 : index
    %get3A_43 = vector.load %arg7[%get3A_41, %get3A_42] : memref<1x1xf32, #tpu.memory_space<vmem>>, vector<1x1xf32>
    %get3A_44 = vector.extract %get3A_43[0, 0] : f32 from vector<1x1xf32>
    %ge3A = arith.constant 0.000000e+00 : f32
    %ge3A_45 = vector.broadcast %ge3A : f32 to vector<1000x256xf32>
    %ge3A_46 = arith.cmpf oge, %add3A_40, %ge3A_45 : vector<1000x256xf32>
    %mul3A = vector.broadcast %get3A_44 : f32 to vector<1000x256xf32>
    %mul3A_47 = arith.mulf %mul3A, %add3A_40 : vector<1000x256xf32>
    %select_n3A = arith.select %ge3A_46, %add3A_40, %mul3A_47 : vector<1000x256xi1>, vector<1000x256xf32>
    %get3A_48 = arith.constant 0 : index
    %get3A_49 = arith.constant 0 : index
    %get3A_50 = vector.load %arg8[%get3A_48, %get3A_49] : memref<128x256xf32, #tpu.memory_space<vmem>>, vector<128x256xf32>
    %dot_general3A_51 = arith.constant dense<0.000000e+00> : vector<1000x128xf32>
    %dot_general3A_52 = tpu.matmul %select_n3A, %get3A_50, %dot_general3A_51 {dimension_numbers = #tpu.dot_dimension_numbers<[1], [1], [0], [0], [0, 0, 1, 0], [], []>, transpose_lhs_hint = false} : vector<1000x256xf32>, vector<128x256xf32>, vector<1000x128xf32> -> vector<1000x128xf32>
    %swap3A = arith.constant 0 : index
    %swap3A_53 = arith.constant 0 : index
    %swap3A_54 = vector.load %arg11[%swap3A, %swap3A_53] : memref<1000x128xf32, #tpu.memory_space<vmem>>, vector<1000x128xf32>
    tpu.vector_store %arg11[%swap3A, %swap3A_53], %dot_general3A_52 {strides = array<i32>} : memref<1000x128xf32, #tpu.memory_space<vmem>>, vector<1000x128xf32>,
    %get3A_55 = arith.constant 0 : index
    %get3A_56 = arith.constant 0 : index
    %get3A_57 = vector.load %arg9[%get3A_55, %get3A_56] : memref<128x256xf32, #tpu.memory_space<vmem>>, vector<128x256xf32>
    %dot_general3A_58 = arith.constant dense<0.000000e+00> : vector<1000x128xf32>
    %dot_general3A_59 = tpu.matmul %select_n3A, %get3A_57, %dot_general3A_58 {dimension_numbers = #tpu.dot_dimension_numbers<[1], [1], [0], [0], [0, 0, 1, 0], [], []>, transpose_lhs_hint = false} : vector<1000x256xf32>, vector<128x256xf32>, vector<1000x128xf32> -> vector<1000x128xf32>
    %get3A_60 = arith.constant 0 : index
    %get3A_61 = arith.constant 0 : index
    %get3A_62 = vector.load %arg10[%get3A_60, %get3A_61] : memref<1x128xf32, #tpu.memory_space<vmem>>, vector<1x128xf32>
    %add3A_63 = vector.broadcast %get3A_62 : vector<1x128xf32> to vector<1000x128xf32>
    %add3A_64 = arith.addf %dot_general3A_59, %add3A_63 : vector<1000x128xf32>
    %swap3A_65 = arith.constant 0 : index
    %swap3A_66 = arith.constant 0 : index
    %swap3A_67 = vector.load %arg12[%swap3A_65, %swap3A_66] : memref<1000x128xf32, #tpu.memory_space<vmem>>, vector<1000x128xf32>
    tpu.vector_store %arg12[%swap3A_65, %swap3A_66], %add3A_64 {strides = array<i32>} : memref<1000x128xf32, #tpu.memory_space<vmem>>, vector<1000x128xf32>,
    return
  }
  func.func @transform_0(%arg0: i32) -> (i32, i32) {
    %c0_i32 = arith.constant 0 : i32
    %c0_i32_0 = arith.constant 0 : i32
    return %arg0, %c0_i32 : i32, i32
  }
  func.func @transform_1(%arg0: i32) -> (i32, i32, i32) {
    %c0_i32 = arith.constant 0 : i32
    %c0_i32_0 = arith.constant 0 : i32
    %c0_i32_1 = arith.constant 0 : i32
    return %c0_i32, %arg0, %c0_i32_0 : i32, i32, i32
  }
  func.func @transform_2(%arg0: i32) -> (i32, i32, i32) {
    %c0_i32 = arith.constant 0 : i32
    %c0_i32_0 = arith.constant 0 : i32
    %c0_i32_1 = arith.constant 0 : i32
    return %c0_i32, %arg0, %c0_i32_0 : i32, i32, i32
  }
  func.func @transform_3(%arg0: i32) -> (i32, i32) {
    %c0_i32 = arith.constant 0 : i32
    %c0_i32_0 = arith.constant 0 : i32
    %c0_i32_1 = arith.constant 0 : i32
    return %c0_i32, %c0_i32_0 : i32, i32
  }
  func.func @transform_4(%arg0: i32) -> (i32, i32) {
    %c0_i32 = arith.constant 0 : i32
    %c0_i32_0 = arith.constant 0 : i32
    %c0_i32_1 = arith.constant 0 : i32
    return %c0_i32, %c0_i32_0 : i32, i32
  }
  func.func @transform_5(%arg0: i32) -> (i32, i32) {
    %c0_i32 = arith.constant 0 : i32
    %c0_i32_0 = arith.constant 0 : i32
    %c0_i32_1 = arith.constant 0 : i32
    return %c0_i32, %c0_i32_0 : i32, i32
  }
  func.func @transform_6(%arg0: i32) -> (i32, i32) {
    %c0_i32 = arith.constant 0 : i32
    %c0_i32_0 = arith.constant 0 : i32
    %c0_i32_1 = arith.constant 0 : i32
    return %c0_i32, %c0_i32_0 : i32, i32
  }
  func.func @transform_7(%arg0: i32) -> (i32, i32) {
    %c0_i32 = arith.constant 0 : i32
    %c0_i32_0 = arith.constant 0 : i32
    %c0_i32_1 = arith.constant 0 : i32
    return %c0_i32, %c0_i32_0 : i32, i32
  }
  func.func @transform_8(%arg0: i32) -> (i32, i32) {
    %c0_i32 = arith.constant 0 : i32
    %c0_i32_0 = arith.constant 0 : i32
    %c0_i32_1 = arith.constant 0 : i32
    return %c0_i32, %c0_i32_0 : i32, i32
  }
  func.func @transform_9(%arg0: i32) -> (i32, i32) {
    %c0_i32 = arith.constant 0 : i32
    %c0_i32_0 = arith.constant 0 : i32
    %c0_i32_1 = arith.constant 0 : i32
    return %c0_i32, %c0_i32_0 : i32, i32
  }
  func.func @transform_10(%arg0: i32) -> (i32, i32) {
    %c0_i32 = arith.constant 0 : i32
    %c0_i32_0 = arith.constant 0 : i32
    return %arg0, %c0_i32 : i32, i32
  }
  func.func @transform_11(%arg0: i32) -> (i32, i32) {
    %c0_i32 = arith.constant 0 : i32
    %c0_i32_0 = arith.constant 0 : i32
    return %arg0, %c0_i32 : i32, i32
  }
}

module attributes {stable_mosaic.version = 14 : i64} {
  func.func @_layer2_body(%arg0: i32, %arg1: memref<2x1000x128xf32, #tpu.memory_space<vmem>>, %arg2: memref<2x1000x1xf32, #tpu.memory_space<vmem>>, %arg3: memref<1000x128xf32, #tpu.memory_space<vmem>>, %arg4: memref<1x1xf32, #tpu.memory_space<vmem>>, %arg5: memref<1000x128xf32, #tpu.memory_space<vmem>>) attributes {dimension_semantics = [#tpu.dimension_semantics<arbitrary>], iteration_bounds = array<i64: 10>, scalar_prefetch = 0 : i64, scratch_operands = 0 : i64, tpu.core_type = #tpu.core_type<tc>, window_params = [{transform_indices = @transform_0, window_bounds = array<i64: 2, 1000, 128>}, {transform_indices = @transform_1, window_bounds = array<i64: 2, 1000, 1>}, {transform_indices = @transform_2, window_bounds = array<i64: 1000, 128>}, {pipeline_mode = #tpu.pipeline_mode<synchronous>, transform_indices = @transform_3, window_bounds = array<i64: 1, 1>}, {transform_indices = @transform_4, window_bounds = array<i64: 1000, 128>}]} {
    %get3A = arith.constant 0 : index
    %get3A_0 = arith.constant 0 : index
    %get3A_1 = arith.constant 0 : index
    %get3A_2 = vector.load %arg1[%get3A, %get3A_0, %get3A_1] : memref<2x1000x128xf32, #tpu.memory_space<vmem>>, vector<1x1000x128xf32>
    %get3A_3 = vector.shape_cast %get3A_2 : vector<1x1000x128xf32> to vector<1000x128xf32>
    %get3A_4 = arith.constant 1 : index
    %get3A_5 = arith.constant 0 : index
    %get3A_6 = arith.constant 0 : index
    %get3A_7 = vector.load %arg1[%get3A_4, %get3A_5, %get3A_6] : memref<2x1000x128xf32, #tpu.memory_space<vmem>>, vector<1x1000x128xf32>
    %get3A_8 = vector.shape_cast %get3A_7 : vector<1x1000x128xf32> to vector<1000x128xf32>
    %add3A = arith.addf %get3A_3, %get3A_8 : vector<1000x128xf32>
    %get3A_9 = arith.constant 0 : index
    %get3A_10 = arith.constant 0 : index
    %get3A_11 = arith.constant 0 : index
    %get3A_12 = vector.load %arg2[%get3A_9, %get3A_10, %get3A_11] : memref<2x1000x1xf32, #tpu.memory_space<vmem>>, vector<1x1000x1xf32>
    %get3A_13 = vector.shape_cast %get3A_12 : vector<1x1000x1xf32> to vector<1000x1xf32>
    %get3A_14 = arith.constant 1 : index
    %get3A_15 = arith.constant 0 : index
    %get3A_16 = arith.constant 0 : index
    %get3A_17 = vector.load %arg2[%get3A_14, %get3A_15, %get3A_16] : memref<2x1000x1xf32, #tpu.memory_space<vmem>>, vector<1x1000x1xf32>
    %get3A_18 = vector.shape_cast %get3A_17 : vector<1x1000x1xf32> to vector<1000x1xf32>
    %add3A_19 = arith.addf %get3A_13, %get3A_18 : vector<1000x1xf32>
    %max3A = arith.constant 1.000000e+00 : f32
    %max3A_20 = vector.broadcast %max3A : f32 to vector<1000x1xf32>
    %max3A_21 = arith.maximumf %add3A_19, %max3A_20 : vector<1000x1xf32>
    %div3A = vector.broadcast %max3A_21 : vector<1000x1xf32> to vector<1000x128xf32>
    %div3A_22 = arith.divf %add3A, %div3A : vector<1000x128xf32>
    %get3A_23 = arith.constant 0 : index
    %get3A_24 = arith.constant 0 : index
    %get3A_25 = vector.load %arg3[%get3A_23, %get3A_24] : memref<1000x128xf32, #tpu.memory_space<vmem>>, vector<1000x128xf32>
    %add3A_26 = arith.addf %div3A_22, %get3A_25 : vector<1000x128xf32>
    %get3A_27 = arith.constant 0 : index
    %get3A_28 = arith.constant 0 : index
    %get3A_29 = vector.load %arg4[%get3A_27, %get3A_28] : memref<1x1xf32, #tpu.memory_space<vmem>>, vector<1x1xf32>
    %get3A_30 = vector.extract %get3A_29[0, 0] : f32 from vector<1x1xf32>
    %ge3A = arith.constant 0.000000e+00 : f32
    %ge3A_31 = vector.broadcast %ge3A : f32 to vector<1000x128xf32>
    %ge3A_32 = arith.cmpf oge, %add3A_26, %ge3A_31 : vector<1000x128xf32>
    %mul3A = vector.broadcast %get3A_30 : f32 to vector<1000x128xf32>
    %mul3A_33 = arith.mulf %mul3A, %add3A_26 : vector<1000x128xf32>
    %select_n3A = arith.select %ge3A_32, %add3A_26, %mul3A_33 : vector<1000x128xi1>, vector<1000x128xf32>
    %swap3A = arith.constant 0 : index
    %swap3A_34 = arith.constant 0 : index
    %swap3A_35 = vector.load %arg5[%swap3A, %swap3A_34] : memref<1000x128xf32, #tpu.memory_space<vmem>>, vector<1000x128xf32>
    tpu.vector_store %arg5[%swap3A, %swap3A_34], %select_n3A {strides = array<i32>} : memref<1000x128xf32, #tpu.memory_space<vmem>>, vector<1000x128xf32>,
    return
  }
  func.func @transform_0(%arg0: i32) -> (i32, i32, i32) {
    %c0_i32 = arith.constant 0 : i32
    %c0_i32_0 = arith.constant 0 : i32
    %c0_i32_1 = arith.constant 0 : i32
    return %c0_i32, %arg0, %c0_i32_0 : i32, i32, i32
  }
  func.func @transform_1(%arg0: i32) -> (i32, i32, i32) {
    %c0_i32 = arith.constant 0 : i32
    %c0_i32_0 = arith.constant 0 : i32
    %c0_i32_1 = arith.constant 0 : i32
    return %c0_i32, %arg0, %c0_i32_0 : i32, i32, i32
  }
  func.func @transform_2(%arg0: i32) -> (i32, i32) {
    %c0_i32 = arith.constant 0 : i32
    %c0_i32_0 = arith.constant 0 : i32
    return %arg0, %c0_i32 : i32, i32
  }
  func.func @transform_3(%arg0: i32) -> (i32, i32) {
    %c0_i32 = arith.constant 0 : i32
    %c0_i32_0 = arith.constant 0 : i32
    %c0_i32_1 = arith.constant 0 : i32
    return %c0_i32, %c0_i32_0 : i32, i32
  }
  func.func @transform_4(%arg0: i32) -> (i32, i32) {
    %c0_i32 = arith.constant 0 : i32
    %c0_i32_0 = arith.constant 0 : i32
    return %arg0, %c0_i32 : i32, i32
  }
}

</mosaic_0001>

<sc_bundles>
// kernel: kernel.6.cloned.1.call-start
scs
__scs_entry_jumppad:
0x0: {  	(pc) =	sbr.rel $0x88, $3  }
0x1: {  	(tag) =	ssettag $0x0;
	lr =	simm.s32 $0x1  }
0x2: {  	[smem:$0x3F97] =	sst lr;
	_ =	strace $0xD0000000  }
0x3: {  	_ = 	snop  }
0x4: {  	_ = 	snop  }
0x5: {  	_ = 	snop  }
0x6: {  	_ = 	snop  }
0x7: {  	_ = 	snop  }
__scs_overlays_trampoline_lowered:
0x8: {  	[smem:$0x3FA6] =	sst s0  }
0x9: {  	[smem:$0x3FA7] =	sst s1  }
0xa: {  	[smem:$0x3FA8] =	sst s2  }
0xb: {  	[smem:$0x3FA9] =	sst s3  }
0xc: {  	[smem:$0x3FAA] =	sst s4  }
0xd: {  	[smem:$0x3FAB] =	sst s5  }
0xe: {  	[smem:$0x3FAC] =	sst s6  }
0xf: {  	[smem:$0x3FAD] =	sst s7  }
0x10: {  	[smem:$0x3FAE] =	sst s8  }
0x11: {  	[smem:$0x3FAF] =	sst s9;
	s0 =	simm.s32 @!p0 $0x0  }
0x12: {  	s1 =	sld [smem:$0x3F95];
	s0 =	simm.s32 @p0 $0x1  }
0x13: {  	[smem:$0x3FB0] =	sst s0;
	s0 =	simm.s32 @!p1 $0x0  }
0x14: {  	s2 =	sld [smem:$0x3F94];
	s0 =	simm.s32 @p1 $0x1  }
0x15: {  	[smem:$0x3FB1] =	sst s0;
	s0 =	simm.s32 @!p2 $0x0  }
0x16: {  	s3 =	sld [smem:$0x3FDB];
	s0 =	simm.s32 @p2 $0x1  }
0x17: {  	s4 =	simm.s32 $0x1BF5;
	[smem:$0x3FB3] =	sst s0  }
0x18: {  	s0 =	sld [smem:$0x3F96];
	_ =	swait.ge [sflag:s4], $0x0  }
0x19: {  	s7 =	sld [smem:$0x3F97]  }
0x1a: {  	s8 =	sadd.s32 $0xFFFFE003, lr  }
0x1b: {  	s9 =	sadd.s32 $0xFFFFFEF7, lr;
	s5 =	simm.s32 $0xFFFFFFFF;
	p2 =	slt.u32 s8, $0xFFFFF086  }
0x1c: {  	p1 =	slt.u32 s9, $0xF7A;
	s5 =	simm.s32 @!p2 $0x0  }
0x1d: {  	s5 =	simm.s32 @p1 $0x1;
	p0 =	seq.s32 s7, s2  }
0x1e: {  	s7 =	smul.u32 @!p0 $0xF7A, s2;
	p2 =	seq.s32 @!p0 s5, $0x0  }
0x1f: {  	s9 =	smul.u32 $0xF7A, s1;
	s8 =	simm.s32 @!p0 $0x1BF5;
	p2 =	por !p2, p0  }
0x20: {  	[sflag:s8] =	ssyncset.s32 @!p0 $0xFFFFF086;
	s6 =	sadd.s32 @!p0 s3, s7;
	s7 =	simm.s32 @!p0 $0x108  }
0x21: {  	s3 =	sadd.s32 s3, s9;
	s6 =	sadd.s32 @!p0 $0x88, s6;
	s7 =	simm.s32 @p2 $0x1082  }
0x22: {  	[simem:s7], [sflag:s8] =	dma.local @!p0 [hbm:s6], $0xF7A  }
0x23: {  	s9 =	sor.u32 $0xD0000000, s2;
	s6 =	simm.s32 $0x108;
	_ =	swait.ge @!p0 [sflag:s8], $0x0  }
0x24: {  	s3 =	sadd.s32 $0x88, s3;
	s6 =	simm.s32 @!p1 $0x1082;
	[sflag:s4] =	ssyncset.s32 $0xFFFFF086  }
0x25: {  	[simem:s6], [sflag:s4] =	dma.local [hbm:s3], $0xF7A  }
0x26: {  	[smem:$0x3F97] =	sst s1;
	(tag) =	ssettag s2;
	_ =	strace s9  }
0x27: {  	s1 =	sld [smem:$0x3FA7]  }
0x28: {  	s2 =	sld [smem:$0x3FA8]  }
0x29: {  	s4 =	sld [smem:$0x3FAA]  }
0x2a: {  	p0 =	seq.s32 s5, $0x0;
	s5 =	sld [smem:$0x3FAB]  }
0x2b: {  	s6 =	sld [smem:$0x3FAC]  }
0x2c: {  	s7 =	sld [smem:$0x3FAD]  }
0x2d: {  	s3 =	simm.s32 $0x108;
	s8 =	sld [smem:$0x3FAE]  }
0x2e: {  	s3 =	simm.s32 @!p0 $0x1082;
	s9 =	sld [smem:$0x3FAF]  }
0x2f: {  	lr =	sadd.s32 s0, s3;
	s0 =	sld [smem:$0x3FA6]  }
0x30: {  	s3 =	sld [smem:$0x3FA9]  }
0x31: {  	[smem:$0x3FB2] =	sst s10  }
0x32: {  	s10 =	sld [smem:$0x3FB0];
	_ =	sdelay $0x3  }
0x33: {  	p0 =	seq.s32 s10, $0x1;
	s10 =	sld [smem:$0x3FB2];
	_ =	sdelay $0x3  }
0x34: {  	[smem:$0x3FB2] =	sst s10  }
0x35: {  	s10 =	sld [smem:$0x3FB1];
	_ =	sdelay $0x3  }
0x36: {  	p1 =	seq.s32 s10, $0x1;
	s10 =	sld [smem:$0x3FB2];
	_ =	sdelay $0x3  }
0x37: {  	[smem:$0x3FB2] =	sst s10  }
0x38: {  	s10 =	sld [smem:$0x3FB3]  }
0x39: {  	_ = 	snop;
	(pc) =	sbr.ind lr, $3  }
0x3a: {  	_ = 	snop  }
0x3b: {  	_ = 	snop  }
0x3c: {  	p2 =	seq.s32 s10, $0x1;
	s10 =	sld [smem:$0x3FB2]  }
0x3d: {  	_ =	shalt  }
0x3e: {  	_ =	shalt  }
0x3f: {  	_ =	shalt  }
0x40: {  	_ =	shalt  }
0x41: {  	_ =	shalt  }
0x42: {  	_ =	shalt  }
0x43: {  	_ =	shalt  }
0x44: {  	_ =	shalt  }
0x45: {  	_ =	shalt  }
0x46: {  	_ =	shalt  }
0x47: {  	_ =	shalt  }
0x48: {  	_ =	shalt  }
0x49: {  	_ =	shalt  }
0x4a: {  	_ =	shalt  }
0x4b: {  	_ =	shalt  }
0x4c: {  	_ =	shalt  }
0x4d: {  	_ =	shalt  }
0x4e: {  	_ =	shalt  }
0x4f: {  	_ =	shalt  }
0x50: {  	_ =	shalt  }
0x51: {  	_ =	shalt  }
0x52: {  	_ =	shalt  }
0x53: {  	_ =	shalt  }
0x54: {  	_ =	shalt  }
0x55: {  	_ =	shalt  }
0x56: {  	_ =	shalt  }
0x57: {  	_ =	shalt  }
0x58: {  	_ =	shalt  }
0x59: {  	_ =	shalt  }
0x5a: {  	_ =	shalt  }
0x5b: {  	_ =	shalt  }
0x5c: {  	_ =	shalt  }
0x5d: {  	_ =	shalt  }
0x5e: {  	_ =	shalt  }
0x5f: {  	_ =	shalt  }
0x60: {  	_ =	shalt  }
0x61: {  	_ =	shalt  }
0x62: {  	_ =	shalt  }
0x63: {  	_ =	shalt  }
0x64: {  	_ =	shalt  }
0x65: {  	_ =	shalt  }
0x66: {  	_ =	shalt  }
0x67: {  	_ =	shalt  }
0x68: {  	_ =	shalt  }
0x69: {  	_ =	shalt  }
0x6a: {  	_ =	shalt  }
0x6b: {  	_ =	shalt  }
0x6c: {  	_ =	shalt  }
0x6d: {  	_ =	shalt  }
0x6e: {  	_ =	shalt  }
0x6f: {  	_ =	shalt  }
0x70: {  	_ =	shalt  }
0x71: {  	_ =	shalt  }
0x72: {  	_ =	shalt  }
0x73: {  	_ =	shalt  }
0x74: {  	_ =	shalt  }
0x75: {  	_ =	shalt  }
0x76: {  	_ =	shalt  }
0x77: {  	_ =	shalt  }
0x78: {  	_ =	shalt  }
0x79: {  	_ =	shalt  }
0x7a: {  	_ =	shalt  }
0x7b: {  	_ =	shalt  }
0x7c: {  	_ =	shalt  }
0x7d: {  	_ =	shalt  }
0x7e: {  	_ =	shalt  }
0x7f: {  	_ =	shalt  }
0x80: {  	_ =	shalt  }
0x81: {  	_ =	shalt  }
0x82: {  	_ =	shalt  }
0x83: {  	_ =	shalt  }
0x84: {  	_ =	shalt  }
0x85: {  	_ =	shalt  }
0x86: {  	_ =	shalt  }
0x87: {  	_ =	shalt  }
.Lfunc_end0:
.L_simem_size_0:
called_computation_lowered:
.L_overlay_start_0:
0x88: {  	s2 =	sld [smem:$0x3FD9]  }
0x89: {  	s3 =	sld [smem:$0x3FFE];
	_ =	sdelay $0x1  }
0x8a: {  	s1 =	srdreg.scid  }
0x8b: {  	s0 =	sand.u32 $0x1, s1  }
0x8c: {  	s16 =	sshll.u32 s0, $0xA;
	s2 =	sadd.s32 s3, s2  }
0x8d: {  	s2 =	sadd.s32 s2, s16  }
0x8e: {  	[smem:$0x3FBE] =	sst s2  }
0x8f: {  	_ = 	snop  }
0x90: {  	(tm) =	ssettm $0x1  }
0x91: {  	s17 =	sld [smem:$0x3FFB];
	_ =	sdelay $0x3  }
0x92: {  	_ =	strace s17  }
0x93: {  	s2 =	sld [smem:$0x3FFC];
	_ =	sdelay $0x3  }
0x94: {  	_ =	strace s2  }
0x95: {  	s2 =	sld [smem:$0x3FFD];
	_ =	sdelay $0x3  }
0x96: {  	_ =	strace s2  }
0x97: {  	_ =	strace $0x8FFFFFFF  }
0x98: {  	s18 =	sld [smem:$0x3FDB];
	_ =	sdelay $0x1  }
0x99: {  	s19 =	simm.s32 $_scs_section_size  }
0x9a: {  	s4 =	simm.s32 $_size__tile_overlayer_lowered;
	s5 =	simm.s32 $_tile_overlayer_lowered  }
0x9b: {  	s22 =	simm.s32 $0x1BFF;
	s21 =	sshll.u32 s5, $0x1;
	s2 =	sadd.s32 s19, s18  }
0x9c: {  	s6 =	simm.s32 $0x0;
	s20 =	sshll.u32 s4, $0x1;
	s4 =	sadd.s32 s21, s2  }
0x9d: {  	[timem:s6], [sflag:s22] =	dma.local [hbm:s4], s20  }
0x9e: {  	_ =	swait.ge [sflag:s22], s20  }
0x9f: {  	s3 =	ssub.s32 $0x0, s20;
	[sflag:s22] =	ssyncset.done $0x0  }
0xa0: {  	[sflag:s22] =	ssyncadd.s32 s3;
	_ =	sdelay $0x1  }
0xa1: {  	s23 =	simm.s32 $0x1B8B  }
0xa2: {  	_ =	swait.ge [sflag:s23], $0x1  }
0xa3: {  	[sflag:s23] =	ssyncset.done $0x0  }
0xa4: {  	s25 =	simm.s32 $0x1B8E;
	s24 =	sld [smem:$0x3FFE];
	[sflag:s23] =	ssyncadd.s32 $0xFFFFFFFF  }
0xa5: {  	s26 =	simm.s32 $execute0_lowered;
	[smem:$0x3FD2] =	sst s25  }
0xa6: {  	s4 =	sshll.u32 s26, $0x1;
	_ =	strace $0x80000046;
	[dreg:$0x1] =	wrdreg $0xFFFFFFFF  }
0xa7: {  	s28 =	simm.s32 $_size_execute0_lowered;
	s2 =	sadd.s32 s2, s4;
	[dreg:$0x0] =	wrdreg $0x0  }
0xa8: {  	s4 =	sshll.u32 s28, $0x1;
	[dreg:$0x2] =	wrdreg s2  }
0xa9: {  	[dreg:$0x3] =	wrdreg s4  }
0xaa: {  	[dreg:$0x4] =	wrdreg $0xC0  }
0xab: {  	_ =	task [dreg:s6], $0x5FFFF  }
0xac: {  	[dreg:$0x1] =	wrdreg $0xFFFFFFFF  }
0xad: {  	[dreg:$0x0] =	wrdreg $0x60  }
0xae: {  	[dreg:$0x2] =	wrdreg s24  }
0xaf: {  	[dreg:$0x3] =	wrdreg $0x41000  }
0xb0: {  	[dreg:$0x4] =	wrdreg $0x9  }
0xb1: {  	_ =	task.clear_ibuf [dreg:s6], $0x5FFFF;
	_ =	strace $0x90000046  }
0xb2: {  	s29 =	simm.s32 $0x9;
	_ =	strace $0x80000048  }
0xb3: {  	_ =	swait.ge [sflag:s29], $0x1  }
0xb4: {  	[sflag:s29] =	ssyncadd.s32 $0xFFFFFFFF  }
0xb5: {  	_ =	strace $0x90000048  }
0xb6: {  	_ =	sfence  }
0xb7: {  	s30 =	sld [smem:$0x0];
	_ =	sdelay $0x2  }
0xb8: {  	s31 =	sshll.u32 s1, $0xD;
	s1 =	sshrl.u32 s1, $0x2  }
0xb9: {  	s3 =	sand.u32 $0x4000, s31;
	s1 =	sadd.s32 s1, s30  }
0xba: {  	s0 =	sor.u32 s3, s0;
	s1 =	sshll.u32 s1, $0x11  }
0xbb: {  	s0 =	sor.u32 s1, s0  }
0xbc: {  	s0 =	sadd.s32 $0x8F2B, s0  }
0xbd: {  	[sflag:s0] =	ssyncadd.remote.s32 $0x1  }
0xbe: {  	_ =	sfence.sel $0xFFFF  }
0xbf: {  	[dreg:$0x0] =	wrdreg $0xFFFFFFFF;
	(pc) =	sbr.abs _section_cstart, $3  }
0xc0: {  	[dreg:$0x1] =	wrdreg $0xFFFFFFFF  }
0xc1: {  	_ =	task.clear_ibuf [dreg:s6], $0x2FFFF;
	_ =	strace $0x9FFFFFFF  }
0xc2: {  	(tm) =	ssettm $0x7FFFFFFF  }
0xc3: {  	_ =	shalt  }
tec
execute0_lowered:
.L_overlay_start_1:
0x0: {  	(tag) =	ssettag $0x1  }
0x1: {  	s6 =	rddreg [dreg:$0x0]  }
0x2: {  	s2 =	rddreg [dreg:$0x1];
	s1 =	stileid.u32  }
0x3: {  	s0 =	rddreg [dreg:$0x2];
	s3 =	simm.s32 $0x0;
	s5 =	smul.u32 $0x2740, s1  }
0x4: {  	s4 =	srdreg.scid;
	s13 =	simm.s32 $0x1;
	s11 =	smul.u32 $0x50000, s1  }
0x5: {  	[smem:$0x7FF] =	sst s3;
	s7 =	sand.u32 $0x1, s4;
	s15 =	smul.u32 $0x2800, s1  }
0x6: {  	s4 =	sadd.s32 $0x3000, s6;
	s12 =	sshll.u32 s1, $0x6;
	s8 =	smul.u32 $0x28000, s7  }
0x7: {  	_ =	strace $0x80000047;
	s10 =	ssub.s32 $0x2, s7;
	s7 =	smul.u32 $0x13A0, s7  }
0x8: {  	s9 =	sadd.s32 s5, s6;
	s5 =	sadd.s32 $0x51E00, s6;
	s30 =	sshrl.u32 s10, $0x1  }
0x9: {  	s11 =	sshrl.u32 s11, $0x2;
	s8 =	sadd.s32 s8, s6;
	s10 =	ssub.s32 s10, s30  }
0xa: {  	s11 =	sadd.s32 s11, s2;
	s6 =	sor.u32 $0x1C02, s12;
	s31 =	sadd.s32 s7, s9  }
0xb: {  	s12 =	simm.s32 $0x100;
	s14 =	sadd.s32 $0x54600, s8;
	s7 =	smax.u32 s10, $0x1  }
0xc: {  	s8 =	sadd.s32 $0x2AA00, s31;
	s9 =	sshrl.u32 s11, $0x3;
	s10 =	simm.s32 $0x2  }
0xd: {  	s11 =	simm.s32 $0x80;
	s14 =	sadd.s32 s15, s14;
	s15 =	simm.s32 $0x0  }
.LBB2_1:
0xe: {  	[spmem:s9], [sflag:s6] =	dma.local [hbm:s5], $0x2800  }
0xf: {  	_ =	swait.ge [sflag:s10], $0x2800  }
0x10: {  	[sflag:s10] =	ssyncset.done $0x0  }
0x11: {  	[sflag:s10] =	ssyncadd.s32 $0xFFFFD800  }
0x12: {  	s16 =	sadd.s32 $0x0, s8;
	[bflag:$0x0] =	sbarrier.arrive $0xFFFF  }
0x13: {  	[tilespmem:s3], [sflag:$0x2] =	stream.linear.gather [hbm4b:s16+s3], $0x100, $0x38;
	[tilespmem:$0x18100] =	vst v63  }
0x14: {  	_ =	swait.ge [sflag:s10], $0x100  }
0x15: {  	[sflag:s10] =	ssyncset.done $0x0  }
0x16: {  	[sflag:s10] =	ssyncadd.s32 $0xFFFFFF00  }
0x17: {  	[tilespmem:s12], [sflag:$0x1] =	stream.indirect.gather [hbm4b:s4+s11], $0x80, s3, s11, $0xb8;
	[tilespmem:$0x18100] =	vst v63  }
0x18: {  	_ =	swait.ge [sflag:s13], $0x4000  }
0x19: {  	[sflag:s13] =	ssyncset.done $0x0  }
0x1a: {  	[sflag:s13] =	ssyncadd.s32 $0xFFFFC000  }
0x1b: {  	[spmem:s2] =	stream.indirect.scatter.add.f32 [tilespmem:s12], [sflag:$0x2], $0x80, s11, s11, $0xb8;
	[tilespmem:$0x18100] =	vst v63  }
0x1c: {  	_ =	swait.ge [sflag:s10], $0x4000  }
0x1d: {  	s17 =	simm.s32 $0x40;
	s16 =	simm.s32 $0x20;
	[sflag:s10] =	ssyncset.done $0x0  }
.LBB2_2:
0x1e: {  	s18 =	sadd.s32 s16, s8  }
0x1f: {  	[sflag:s10] =	ssyncadd.s32 $0xFFFFC000;
	s16 =	smov.u32 s17;
	s19 =	sadd.s32 $0x20, s17  }
0x20: {  	[tilespmem:s3], [sflag:$0x2] =	stream.linear.gather [hbm4b:s18+s3], $0x100, $0x38;
	[tilespmem:$0x18100] =	vst v63  }
0x21: {  	p0 =	sne.s32 s17, $0x1380;
	_ =	swait.ge [sflag:s10], $0x100  }
0x22: {  	[sflag:s10] =	ssyncset.done $0x0  }
0x23: {  	[sflag:s10] =	ssyncadd.s32 $0xFFFFFF00  }
0x24: {  	[tilespmem:s12], [sflag:$0x1] =	stream.indirect.gather [hbm4b:s4+s11], $0x80, s3, s11, $0xb8;
	[tilespmem:$0x18100] =	vst v63  }
0x25: {  	_ =	swait.ge [sflag:s13], $0x4000  }
.Ltmp0:
0x26: {  	[sflag:s13] =	ssyncset.done $0x0;
	(pc) =	sbr.rel @p0 .LBB2_2-.Ltmp0, $4  }
0x27: {  	[sflag:s13] =	ssyncadd.s32 $0xFFFFC000  }
0x28: {  	[spmem:s2] =	stream.indirect.scatter.add.f32 [tilespmem:s12], [sflag:$0x2], $0x80, s11, s11, $0xb8;
	[tilespmem:$0x18100] =	vst v63  }
0x29: {  	_ =	swait.ge [sflag:s10], $0x4000  }
0x2a: {  	s17 =	smov.u32 s19;
	[sflag:s10] =	ssyncset.done $0x0  }
0x2b: {  	s16 =	sadd.s32 s16, s8;
	[sflag:s10] =	ssyncadd.s32 $0xFFFFC000  }
0x2c: {  	[tilespmem:s3], [sflag:$0x2] =	stream.linear.gather [hbm4b:s16+s3], $0x100, $0x38;
	[tilespmem:$0x18100] =	vst v63  }
0x2d: {  	_ =	swait.ge [sflag:s10], $0x100  }
0x2e: {  	[sflag:s10] =	ssyncset.done $0x0  }
0x2f: {  	[sflag:s10] =	ssyncadd.s32 $0xFFFFFF00  }
0x30: {  	[tilespmem:s12], [sflag:$0x1] =	stream.indirect.gather [hbm4b:s4+s11], $0x80, s3, s11, $0xb8;
	[tilespmem:$0x18100] =	vst v63  }
0x31: {  	_ =	swait.ge [sflag:s13], $0x4000  }
0x32: {  	[sflag:s13] =	ssyncset.done $0x0  }
0x33: {  	[sflag:s13] =	ssyncadd.s32 $0xFFFFC000  }
0x34: {  	[spmem:s2] =	stream.indirect.scatter.add.f32 [tilespmem:s12], [sflag:$0x2], $0x80, s11, s11, $0xb8;
	[tilespmem:$0x18100] =	vst v63  }
0x35: {  	_ =	swait.ge [sflag:s10], $0x4000  }
0x36: {  	s15 =	sadd.s32 $0x1, s15;
	[sflag:s10] =	ssyncset.done $0x0  }
0x37: {  	p0 =	sne.s32 s15, s7;
	[sflag:s10] =	ssyncadd.s32 $0xFFFFC000  }
.Ltmp1:
0x38: {  	[bflag:$0x0] =	sbarrier.arrive $0xFFFF;
	(pc) =	sbr.rel @p0 .LBB2_1-.Ltmp1, $4  }
0x39: {  	[hbm:s14], [sflag:s6] =	dma.local [spmem:s9], $0x2800  }
0x3a: {  	_ =	swait.ge [sflag:s10], $0x2800  }
0x3b: {  	[sflag:s10] =	ssyncset.done $0x0  }
0x3c: {  	[sflag:s10] =	ssyncadd.s32 $0xFFFFD800  }
0x3d: {  	_ =	sfence.sel $0x180000  }
0x3e: {  	[bflag:$0x0] =	sbarrier.arrive $0xFFFF  }
0x3f: {  	p0 =	sne.s32 s1, $0x0;
	_ =	strace $0x90000047  }
0x40: {  	s0 =	sadd.s32 @!p0 $0x100000, s0;
	[bflag:$0x2] =	sbarrier.arrive $0xFFFF  }
0x41: {  	[sflag:s0] =	ssyncadd.tile.s32 @!p0 $0x1;
	_ =	shalt  }
.Lfunc_end2:
_tile_overlayer_lowered:
.L_overlay_start_2:
0x42: {  	(tag) =	ssettag $0x2  }
0x43: {  	s0 =	rddreg [dreg:$0x0];
	s2 =	stileid.u32  }
0x44: {  	s1 =	rddreg [dreg:$0x1];
	p0 =	sne.s32 s2, $0x0  }
0x45: {  	s3 =	rddreg [dreg:$0x2];
	[bflag:$0x3] =	sbarrier.arrive $0xFFFF;
	s2 =	simm.s32 @!p0 $0x1C02  }
0x46: {  	[timem:s3], [sflag:s2] =	dma.local @!p0 [hbm:s0], s1  }
0x47: {  	s0 =	simm.s32 @!p0 $0x2  }
0x48: {  	_ =	swait.ge @!p0 [sflag:s0], s1  }
0x49: {  	s1 =	ssub.s32 @!p0 $0x0, s1;
	[sflag:s0] =	ssyncset.done @!p0 $0x0  }
0x4a: {  	[sflag:s0] =	ssyncadd.s32 @!p0 s1  }
0x4b: {  	[bflag:$0x3] =	sbarrier.arrive $0xFFFF  }
0x4c: {  	_ =	shalt  }

// kernel: kernel.9.cloned.1.call-start
scs
__scs_entry_jumppad:
0x0: {  	(pc) =	sbr.rel $0x88, $3  }
0x1: {  	(tag) =	ssettag $0x0;
	lr =	simm.s32 $0x1  }
0x2: {  	[smem:$0x3F97] =	sst lr;
	_ =	strace $0xD0000000  }
0x3: {  	_ = 	snop  }
0x4: {  	_ = 	snop  }
0x5: {  	_ = 	snop  }
0x6: {  	_ = 	snop  }
0x7: {  	_ = 	snop  }
__scs_overlays_trampoline_lowered:
0x8: {  	[smem:$0x3FA6] =	sst s0  }
0x9: {  	[smem:$0x3FA7] =	sst s1  }
0xa: {  	[smem:$0x3FA8] =	sst s2  }
0xb: {  	[smem:$0x3FA9] =	sst s3  }
0xc: {  	[smem:$0x3FAA] =	sst s4  }
0xd: {  	[smem:$0x3FAB] =	sst s5  }
0xe: {  	[smem:$0x3FAC] =	sst s6  }
0xf: {  	[smem:$0x3FAD] =	sst s7  }
0x10: {  	[smem:$0x3FAE] =	sst s8  }
0x11: {  	[smem:$0x3FAF] =	sst s9;
	s0 =	simm.s32 @!p0 $0x0  }
0x12: {  	s1 =	sld [smem:$0x3F95];
	s0 =	simm.s32 @p0 $0x1  }
0x13: {  	[smem:$0x3FB0] =	sst s0;
	s0 =	simm.s32 @!p1 $0x0  }
0x14: {  	s2 =	sld [smem:$0x3F94];
	s0 =	simm.s32 @p1 $0x1  }
0x15: {  	[smem:$0x3FB1] =	sst s0;
	s0 =	simm.s32 @!p2 $0x0  }
0x16: {  	s3 =	sld [smem:$0x3FDB];
	s0 =	simm.s32 @p2 $0x1  }
0x17: {  	s4 =	simm.s32 $0x1BF5;
	[smem:$0x3FB3] =	sst s0  }
0x18: {  	s0 =	sld [smem:$0x3F96];
	_ =	swait.ge [sflag:s4], $0x0  }
0x19: {  	s7 =	sld [smem:$0x3F97]  }
0x1a: {  	s8 =	sadd.s32 $0xFFFFE003, lr  }
0x1b: {  	s9 =	sadd.s32 $0xFFFFFEF7, lr;
	s5 =	simm.s32 $0xFFFFFFFF;
	p2 =	slt.u32 s8, $0xFFFFF086  }
0x1c: {  	p1 =	slt.u32 s9, $0xF7A;
	s5 =	simm.s32 @!p2 $0x0  }
0x1d: {  	s5 =	simm.s32 @p1 $0x1;
	p0 =	seq.s32 s7, s2  }
0x1e: {  	s7 =	smul.u32 @!p0 $0xF7A, s2;
	p2 =	seq.s32 @!p0 s5, $0x0  }
0x1f: {  	s9 =	smul.u32 $0xF7A, s1;
	s8 =	simm.s32 @!p0 $0x1BF5;
	p2 =	por !p2, p0  }
0x20: {  	[sflag:s8] =	ssyncset.s32 @!p0 $0xFFFFF086;
	s6 =	sadd.s32 @!p0 s3, s7;
	s7 =	simm.s32 @!p0 $0x108  }
0x21: {  	s3 =	sadd.s32 s3, s9;
	s6 =	sadd.s32 @!p0 $0x88, s6;
	s7 =	simm.s32 @p2 $0x1082  }
0x22: {  	[simem:s7], [sflag:s8] =	dma.local @!p0 [hbm:s6], $0xF7A  }
0x23: {  	s9 =	sor.u32 $0xD0000000, s2;
	s6 =	simm.s32 $0x108;
	_ =	swait.ge @!p0 [sflag:s8], $0x0  }
0x24: {  	s3 =	sadd.s32 $0x88, s3;
	s6 =	simm.s32 @!p1 $0x1082;
	[sflag:s4] =	ssyncset.s32 $0xFFFFF086  }
0x25: {  	[simem:s6], [sflag:s4] =	dma.local [hbm:s3], $0xF7A  }
0x26: {  	[smem:$0x3F97] =	sst s1;
	(tag) =	ssettag s2;
	_ =	strace s9  }
0x27: {  	s1 =	sld [smem:$0x3FA7]  }
0x28: {  	s2 =	sld [smem:$0x3FA8]  }
0x29: {  	s4 =	sld [smem:$0x3FAA]  }
0x2a: {  	p0 =	seq.s32 s5, $0x0;
	s5 =	sld [smem:$0x3FAB]  }
0x2b: {  	s6 =	sld [smem:$0x3FAC]  }
0x2c: {  	s7 =	sld [smem:$0x3FAD]  }
0x2d: {  	s3 =	simm.s32 $0x108;
	s8 =	sld [smem:$0x3FAE]  }
0x2e: {  	s3 =	simm.s32 @!p0 $0x1082;
	s9 =	sld [smem:$0x3FAF]  }
0x2f: {  	lr =	sadd.s32 s0, s3;
	s0 =	sld [smem:$0x3FA6]  }
0x30: {  	s3 =	sld [smem:$0x3FA9]  }
0x31: {  	[smem:$0x3FB2] =	sst s10  }
0x32: {  	s10 =	sld [smem:$0x3FB0];
	_ =	sdelay $0x3  }
0x33: {  	p0 =	seq.s32 s10, $0x1;
	s10 =	sld [smem:$0x3FB2];
	_ =	sdelay $0x3  }
0x34: {  	[smem:$0x3FB2] =	sst s10  }
0x35: {  	s10 =	sld [smem:$0x3FB1];
	_ =	sdelay $0x3  }
0x36: {  	p1 =	seq.s32 s10, $0x1;
	s10 =	sld [smem:$0x3FB2];
	_ =	sdelay $0x3  }
0x37: {  	[smem:$0x3FB2] =	sst s10  }
0x38: {  	s10 =	sld [smem:$0x3FB3]  }
0x39: {  	_ = 	snop;
	(pc) =	sbr.ind lr, $3  }
0x3a: {  	_ = 	snop  }
0x3b: {  	_ = 	snop  }
0x3c: {  	p2 =	seq.s32 s10, $0x1;
	s10 =	sld [smem:$0x3FB2]  }
0x3d: {  	_ =	shalt  }
0x3e: {  	_ =	shalt  }
0x3f: {  	_ =	shalt  }
0x40: {  	_ =	shalt  }
0x41: {  	_ =	shalt  }
0x42: {  	_ =	shalt  }
0x43: {  	_ =	shalt  }
0x44: {  	_ =	shalt  }
0x45: {  	_ =	shalt  }
0x46: {  	_ =	shalt  }
0x47: {  	_ =	shalt  }
0x48: {  	_ =	shalt  }
0x49: {  	_ =	shalt  }
0x4a: {  	_ =	shalt  }
0x4b: {  	_ =	shalt  }
0x4c: {  	_ =	shalt  }
0x4d: {  	_ =	shalt  }
0x4e: {  	_ =	shalt  }
0x4f: {  	_ =	shalt  }
0x50: {  	_ =	shalt  }
0x51: {  	_ =	shalt  }
0x52: {  	_ =	shalt  }
0x53: {  	_ =	shalt  }
0x54: {  	_ =	shalt  }
0x55: {  	_ =	shalt  }
0x56: {  	_ =	shalt  }
0x57: {  	_ =	shalt  }
0x58: {  	_ =	shalt  }
0x59: {  	_ =	shalt  }
0x5a: {  	_ =	shalt  }
0x5b: {  	_ =	shalt  }
0x5c: {  	_ =	shalt  }
0x5d: {  	_ =	shalt  }
0x5e: {  	_ =	shalt  }
0x5f: {  	_ =	shalt  }
0x60: {  	_ =	shalt  }
0x61: {  	_ =	shalt  }
0x62: {  	_ =	shalt  }
0x63: {  	_ =	shalt  }
0x64: {  	_ =	shalt  }
0x65: {  	_ =	shalt  }
0x66: {  	_ =	shalt  }
0x67: {  	_ =	shalt  }
0x68: {  	_ =	shalt  }
0x69: {  	_ =	shalt  }
0x6a: {  	_ =	shalt  }
0x6b: {  	_ =	shalt  }
0x6c: {  	_ =	shalt  }
0x6d: {  	_ =	shalt  }
0x6e: {  	_ =	shalt  }
0x6f: {  	_ =	shalt  }
0x70: {  	_ =	shalt  }
0x71: {  	_ =	shalt  }
0x72: {  	_ =	shalt  }
0x73: {  	_ =	shalt  }
0x74: {  	_ =	shalt  }
0x75: {  	_ =	shalt  }
0x76: {  	_ =	shalt  }
0x77: {  	_ =	shalt  }
0x78: {  	_ =	shalt  }
0x79: {  	_ =	shalt  }
0x7a: {  	_ =	shalt  }
0x7b: {  	_ =	shalt  }
0x7c: {  	_ =	shalt  }
0x7d: {  	_ =	shalt  }
0x7e: {  	_ =	shalt  }
0x7f: {  	_ =	shalt  }
0x80: {  	_ =	shalt  }
0x81: {  	_ =	shalt  }
0x82: {  	_ =	shalt  }
0x83: {  	_ =	shalt  }
0x84: {  	_ =	shalt  }
0x85: {  	_ =	shalt  }
0x86: {  	_ =	shalt  }
0x87: {  	_ =	shalt  }
.Lfunc_end0:
.L_simem_size_0:
called_computation.1_lowered:
.L_overlay_start_0:
0x88: {  	s2 =	sld [smem:$0x3FD9]  }
0x89: {  	s3 =	sld [smem:$0x3FFE];
	_ =	sdelay $0x1  }
0x8a: {  	s1 =	srdreg.scid  }
0x8b: {  	s0 =	sand.u32 $0x1, s1  }
0x8c: {  	s17 =	sshll.u32 s0, $0xA;
	s2 =	sadd.s32 s3, s2  }
0x8d: {  	s2 =	sadd.s32 s2, s17  }
0x8e: {  	[smem:$0x3FBE] =	sst s2  }
0x8f: {  	_ = 	snop  }
0x90: {  	s2 =	sld [smem:$0x3FD0];
	(tm) =	ssettm $0x1  }
0x91: {  	s18 =	sld [smem:$0x3FFB];
	_ =	sdelay $0x3  }
0x92: {  	_ =	strace s18  }
0x93: {  	s3 =	sld [smem:$0x3FFC];
	_ =	sdelay $0x3  }
0x94: {  	_ =	strace s3  }
0x95: {  	s3 =	sld [smem:$0x3FFD];
	_ =	sdelay $0x3  }
0x96: {  	_ =	strace s3  }
0x97: {  	_ =	strace $0x8FFFFFFF  }
0x98: {  	s19 =	sld [smem:$0x3FDB];
	_ =	sdelay $0x1  }
0x99: {  	s4 =	simm.s32 $_scs_section_size  }
0x9a: {  	s5 =	simm.s32 $_size__tile_overlayer_lowered;
	s6 =	simm.s32 $_tile_overlayer_lowered  }
0x9b: {  	s22 =	simm.s32 $0x1BFF;
	s21 =	sshll.u32 s6, $0x1;
	s3 =	sadd.s32 s4, s19  }
0x9c: {  	s7 =	simm.s32 $0x0;
	s20 =	sshll.u32 s5, $0x1;
	s5 =	sadd.s32 s21, s3  }
0x9d: {  	[timem:s7], [sflag:s22] =	dma.local [hbm:s5], s20  }
0x9e: {  	_ =	swait.ge [sflag:s22], s20  }
0x9f: {  	s4 =	ssub.s32 $0x0, s20;
	[sflag:s22] =	ssyncset.done $0x0  }
0xa0: {  	[sflag:s22] =	ssyncadd.s32 s4;
	_ =	sdelay $0x1  }
0xa1: {  	s23 =	simm.s32 $0x1B8B  }
0xa2: {  	_ =	swait.ge [sflag:s23], $0x1  }
0xa3: {  	[sflag:s23] =	ssyncset.done $0x0  }
0xa4: {  	s25 =	simm.s32 $0x1B8E;
	s24 =	sld [smem:$0x3FFE];
	[sflag:s23] =	ssyncadd.s32 $0xFFFFFFFF  }
0xa5: {  	s26 =	simm.s32 $execute0_lowered;
	[smem:$0x3FD2] =	sst s25  }
0xa6: {  	s5 =	sshll.u32 s26, $0x1;
	_ =	strace $0x80000049;
	[dreg:$0x1] =	wrdreg $0xFFFFFFFF  }
0xa7: {  	s28 =	simm.s32 $_size_execute0_lowered;
	s3 =	sadd.s32 s3, s5;
	[dreg:$0x0] =	wrdreg $0x0  }
0xa8: {  	s5 =	sshll.u32 s28, $0x1;
	[dreg:$0x2] =	wrdreg s3  }
0xa9: {  	[dreg:$0x3] =	wrdreg s5  }
0xaa: {  	[dreg:$0x4] =	wrdreg $0xC0  }
0xab: {  	_ =	task [dreg:s7], $0x5FFFF  }
0xac: {  	[dreg:$0x1] =	wrdreg $0xFFFFFFFF  }
0xad: {  	[dreg:$0x0] =	wrdreg $0x60  }
0xae: {  	[dreg:$0x2] =	wrdreg s2  }
0xaf: {  	[dreg:$0x3] =	wrdreg s24  }
0xb0: {  	[dreg:$0x4] =	wrdreg $0x41000  }
0xb1: {  	[dreg:$0x5] =	wrdreg $0x9  }
0xb2: {  	_ =	task.clear_ibuf [dreg:s7], $0x6FFFF;
	_ =	strace $0x90000049  }
0xb3: {  	s29 =	simm.s32 $0x9;
	_ =	strace $0x8000004B  }
0xb4: {  	_ =	swait.ge [sflag:s29], $0x1  }
0xb5: {  	[sflag:s29] =	ssyncadd.s32 $0xFFFFFFFF  }
0xb6: {  	_ =	strace $0x9000004B  }
0xb7: {  	_ =	sfence  }
0xb8: {  	s30 =	sld [smem:$0x0];
	_ =	sdelay $0x2  }
0xb9: {  	s31 =	sshll.u32 s1, $0xD;
	s1 =	sshrl.u32 s1, $0x2  }
0xba: {  	s3 =	sand.u32 $0x4000, s31;
	s1 =	sadd.s32 s1, s30  }
0xbb: {  	s0 =	sor.u32 s3, s0;
	s1 =	sshll.u32 s1, $0x11  }
0xbc: {  	s0 =	sor.u32 s1, s0  }
0xbd: {  	s0 =	sadd.s32 $0x8F2B, s0  }
0xbe: {  	[sflag:s0] =	ssyncadd.remote.s32 $0x1  }
0xbf: {  	_ =	sfence.sel $0xFFFF  }
0xc0: {  	[dreg:$0x0] =	wrdreg $0xFFFFFFFF;
	(pc) =	sbr.abs _section_cstart, $3  }
0xc1: {  	[dreg:$0x1] =	wrdreg $0xFFFFFFFF  }
0xc2: {  	_ =	task.clear_ibuf [dreg:s7], $0x2FFFF;
	_ =	strace $0x9FFFFFFF  }
0xc3: {  	(tm) =	ssettm $0x7FFFFFFF  }
tec
execute0_lowered:
.L_overlay_start_1:
0x0: {  	(tag) =	ssettag $0x1  }
0x1: {  	s1 =	rddreg [dreg:$0x0]  }
0x2: {  	s6 =	rddreg [dreg:$0x1]  }
0x3: {  	s3 =	rddreg [dreg:$0x2]  }
0x4: {  	s0 =	rddreg [dreg:$0x3];
	s4 =	simm.s32 $0x0;
	s2 =	stileid.u32  }
0x5: {  	s5 =	srdreg.scid;
	s13 =	simm.s32 $0x1;
	s7 =	smul.u32 $0x13C0, s2  }
0x6: {  	[smem:$0x7FF] =	sst s4;
	s8 =	sand.u32 $0x1, s5;
	s11 =	smul.u32 $0x50000, s2  }
0x7: {  	s5 =	sadd.s32 $0x51E00, s6;
	s12 =	sshll.u32 s2, $0x6;
	s15 =	smul.u32 $0x2800, s2  }
0x8: {  	_ =	strace $0x8000004A;
	s9 =	smul.u32 $0x28000, s8;
	s10 =	ssub.s32 $0x2, s8  }
0x9: {  	s8 =	smul.u32 $0x9E0, s8;
	s7 =	sadd.s32 s7, s6;
	s31 =	sshrl.u32 s10, $0x1  }
0xa: {  	s11 =	sshrl.u32 s11, $0x2;
	s9 =	sadd.s32 s9, s6;
	s10 =	ssub.s32 s10, s31  }
0xb: {  	s11 =	sadd.s32 s11, s3;
	s6 =	sor.u32 $0x1C02, s12;
	s8 =	sadd.s32 s8, s7  }
0xc: {  	s12 =	simm.s32 $0x100;
	s14 =	sadd.s32 $0x54600, s9;
	s7 =	smax.u32 s10, $0x1  }
0xd: {  	s8 =	sadd.s32 $0xA4600, s8;
	s9 =	sshrl.u32 s11, $0x3;
	s10 =	simm.s32 $0x2  }
0xe: {  	s11 =	simm.s32 $0x80;
	s14 =	sadd.s32 s15, s14;
	s15 =	simm.s32 $0x0  }
.LBB2_1:
0xf: {  	[spmem:s9], [sflag:s6] =	dma.local [hbm:s5], $0x2800  }
0x10: {  	_ =	swait.ge [sflag:s10], $0x2800  }
0x11: {  	[sflag:s10] =	ssyncset.done $0x0  }
0x12: {  	[sflag:s10] =	ssyncadd.s32 $0xFFFFD800  }
0x13: {  	s16 =	sadd.s32 $0x0, s8;
	[bflag:$0x0] =	sbarrier.arrive $0xFFFF  }
0x14: {  	[tilespmem:s4], [sflag:$0x2] =	stream.linear.gather [hbm4b:s16+s4], $0x100, $0x38;
	[tilespmem:$0x18100] =	vst v63  }
0x15: {  	_ =	swait.ge [sflag:s10], $0x100  }
0x16: {  	[sflag:s10] =	ssyncset.done $0x0  }
0x17: {  	[sflag:s10] =	ssyncadd.s32 $0xFFFFFF00  }
0x18: {  	[tilespmem:s12], [sflag:$0x1] =	stream.indirect.gather [hbm4b:s1+s11], $0x80, s4, s11, $0xb8;
	[tilespmem:$0x18100] =	vst v63  }
0x19: {  	_ =	swait.ge [sflag:s13], $0x4000  }
0x1a: {  	[sflag:s13] =	ssyncset.done $0x0  }
0x1b: {  	[sflag:s13] =	ssyncadd.s32 $0xFFFFC000  }
0x1c: {  	[spmem:s3] =	stream.indirect.scatter.add.f32 [tilespmem:s12], [sflag:$0x2], $0x80, s11, s11, $0xb8;
	[tilespmem:$0x18100] =	vst v63  }
0x1d: {  	_ =	swait.ge [sflag:s10], $0x4000  }
0x1e: {  	s17 =	simm.s32 $0x40;
	s16 =	simm.s32 $0x20;
	[sflag:s10] =	ssyncset.done $0x0  }
.LBB2_2:
0x1f: {  	s18 =	sadd.s32 s16, s8  }
0x20: {  	[sflag:s10] =	ssyncadd.s32 $0xFFFFC000;
	s16 =	smov.u32 s17;
	s19 =	sadd.s32 $0x20, s17  }
0x21: {  	[tilespmem:s4], [sflag:$0x2] =	stream.linear.gather [hbm4b:s18+s4], $0x100, $0x38;
	[tilespmem:$0x18100] =	vst v63  }
0x22: {  	p0 =	sne.s32 s17, $0x9C0;
	_ =	swait.ge [sflag:s10], $0x100  }
0x23: {  	[sflag:s10] =	ssyncset.done $0x0  }
0x24: {  	[sflag:s10] =	ssyncadd.s32 $0xFFFFFF00  }
0x25: {  	[tilespmem:s12], [sflag:$0x1] =	stream.indirect.gather [hbm4b:s1+s11], $0x80, s4, s11, $0xb8;
	[tilespmem:$0x18100] =	vst v63  }
0x26: {  	_ =	swait.ge [sflag:s13], $0x4000  }
.Ltmp0:
0x27: {  	[sflag:s13] =	ssyncset.done $0x0;
	(pc) =	sbr.rel @p0 .LBB2_2-.Ltmp0, $4  }
0x28: {  	[sflag:s13] =	ssyncadd.s32 $0xFFFFC000  }
0x29: {  	[spmem:s3] =	stream.indirect.scatter.add.f32 [tilespmem:s12], [sflag:$0x2], $0x80, s11, s11, $0xb8;
	[tilespmem:$0x18100] =	vst v63  }
0x2a: {  	_ =	swait.ge [sflag:s10], $0x4000  }
0x2b: {  	s17 =	smov.u32 s19;
	[sflag:s10] =	ssyncset.done $0x0  }
0x2c: {  	s16 =	sadd.s32 s16, s8;
	[sflag:s10] =	ssyncadd.s32 $0xFFFFC000  }
0x2d: {  	[tilespmem:s4], [sflag:$0x2] =	stream.linear.gather [hbm4b:s16+s4], $0x100, $0x38;
	[tilespmem:$0x18100] =	vst v63  }
0x2e: {  	_ =	swait.ge [sflag:s10], $0x100  }
0x2f: {  	[sflag:s10] =	ssyncset.done $0x0  }
0x30: {  	[sflag:s10] =	ssyncadd.s32 $0xFFFFFF00  }
0x31: {  	[tilespmem:s12], [sflag:$0x1] =	stream.indirect.gather [hbm4b:s1+s11], $0x80, s4, s11, $0xb8;
	[tilespmem:$0x18100] =	vst v63  }
0x32: {  	_ =	swait.ge [sflag:s13], $0x4000  }
0x33: {  	[sflag:s13] =	ssyncset.done $0x0  }
0x34: {  	[sflag:s13] =	ssyncadd.s32 $0xFFFFC000  }
0x35: {  	[spmem:s3] =	stream.indirect.scatter.add.f32 [tilespmem:s12], [sflag:$0x2], $0x80, s11, s11, $0xb8;
	[tilespmem:$0x18100] =	vst v63  }
0x36: {  	_ =	swait.ge [sflag:s10], $0x4000  }
0x37: {  	s15 =	sadd.s32 $0x1, s15;
	[sflag:s10] =	ssyncset.done $0x0  }
0x38: {  	p0 =	sne.s32 s15, s7;
	[sflag:s10] =	ssyncadd.s32 $0xFFFFC000  }
.Ltmp1:
0x39: {  	[bflag:$0x0] =	sbarrier.arrive $0xFFFF;
	(pc) =	sbr.rel @p0 .LBB2_1-.Ltmp1, $4  }
0x3a: {  	[hbm:s14], [sflag:s6] =	dma.local [spmem:s9], $0x2800  }
0x3b: {  	_ =	swait.ge [sflag:s10], $0x2800  }
0x3c: {  	[sflag:s10] =	ssyncset.done $0x0  }
0x3d: {  	[sflag:s10] =	ssyncadd.s32 $0xFFFFD800  }
0x3e: {  	_ =	sfence.sel $0x180000  }
0x3f: {  	[bflag:$0x0] =	sbarrier.arrive $0xFFFF  }
0x40: {  	p0 =	sne.s32 s2, $0x0;
	_ =	strace $0x9000004A  }
0x41: {  	s0 =	sadd.s32 @!p0 $0x100000, s0;
	[bflag:$0x2] =	sbarrier.arrive $0xFFFF  }
0x42: {  	[sflag:s0] =	ssyncadd.tile.s32 @!p0 $0x1;
	_ =	shalt  }
.Lfunc_end2:
_tile_overlayer_lowered:
.L_overlay_start_2:
0x43: {  	(tag) =	ssettag $0x2  }
0x44: {  	s0 =	rddreg [dreg:$0x0];
	s2 =	stileid.u32  }
0x45: {  	s1 =	rddreg [dreg:$0x1];
	p0 =	sne.s32 s2, $0x0  }
0x46: {  	s3 =	rddreg [dreg:$0x2];
	[bflag:$0x3] =	sbarrier.arrive $0xFFFF;
	s2 =	simm.s32 @!p0 $0x1C02  }
0x47: {  	[timem:s3], [sflag:s2] =	dma.local @!p0 [hbm:s0], s1  }
0x48: {  	s0 =	simm.s32 @!p0 $0x2  }
0x49: {  	_ =	swait.ge @!p0 [sflag:s0], s1  }
0x4a: {  	s1 =	ssub.s32 @!p0 $0x0, s1;
	[sflag:s0] =	ssyncset.done @!p0 $0x0  }
0x4b: {  	[sflag:s0] =	ssyncadd.s32 @!p0 s1  }
0x4c: {  	[bflag:$0x3] =	sbarrier.arrive $0xFFFF  }
0x4d: {  	_ =	shalt  }

</sc_bundles>
